<compile_context>
chip_gen: v7x
topology: tpu7x:2x2x1
jax: 0.10.2.dev20260603
libtpu: 0.0.44.dev20260713+nightly
codegen_flags: <defaults>
</compile_context>

<pallas_src>
import functools

import jax
import jax.numpy as jnp
import numpy as np
from jax import lax
from jax.experimental import pallas as pl
from jax.experimental.pallas import tpu as pltpu
from jax.experimental.pallas import tpu_sc as plsc

DEPTH = 10
N = 2047
NP = 2048
EMB = 128
ENC = 128
CHUNK = 128
NC = 2
NS = 16
NW = NC * NS
NBUF = 6

_PERM = np.zeros(NP, dtype=np.int64)
_PERM[1] = 0
for _l in range(1, DEPTH + 1):
    _k = 1 << (_l - 1)
    _par = _PERM[_k:2 * _k]
    _PERM[2 * _k:3 * _k] = 2 * _par + 1
    _PERM[3 * _k:4 * _k] = 2 * _par + 2
_INV = np.zeros(NP, dtype=np.int64)
_INV[_PERM[1:]] = np.arange(1, NP)
_INV[N] = 0

_B = 16
_OUTPOS = np.zeros((_B * NP // CHUNK, CHUNK), dtype=np.int32)
for _w in range(NW):
    _R, _C = _w % 2, _w // 2
    for _rr in range(8):
        _tree = 8 * _R + _rr
        _node = 128 * _C + np.arange(CHUNK)
        _OUTPOS[_w * 8 + _rr] = _tree * NP + _INV[_node]


def _sc_gather_body(tok_hbm, pos_hbm, emb_hbm, out_hbm, idx_v, pos_v, bufs,
                    isem0, isem1, *sems):
    gs = sems[:NBUF]
    ss = sems[NBUF:]
    wid = lax.axis_index("s") * NC + lax.axis_index("c")
    n_chunks = (tok_hbm.shape[0] * NP) // (NW * CHUNK)
    rtile = pl.multiple_of((wid % 2) * 8, 8)
    ctile = pl.multiple_of((wid // 2) * CHUNK, CHUNK)
    c1 = pltpu.async_copy(pos_hbm.at[pl.ds(wid * n_chunks, n_chunks)], pos_v,
                          isem1)
    pltpu.sync_copy(tok_hbm.at[pl.ds(rtile, 8), pl.ds(ctile, CHUNK)], idx_v)
    @pl.when(wid // 2 == (NP // CHUNK) - 1)
    def _():
        lane = lax.iota(jnp.int32, 16)
        for r in range(8):
            v = idx_v[r, pl.ds(CHUNK - 16, 16)]
            idx_v[r, pl.ds(CHUNK - 16, 16)] = jnp.where(lane == 15, 0, v)

    c1.wait()
    h = [None] * n_chunks
    o = [None] * n_chunks
    prime = min(NBUF - 1, n_chunks)
    for j in range(prime):
        h[j] = pltpu.async_copy(emb_hbm.at[idx_v.at[j]], bufs.at[j], gs[j])
    for j in range(n_chunks):
        h[j].wait()
        o[j] = pltpu.async_copy(bufs.at[j % NBUF], out_hbm.at[pos_v.at[j]],
                                ss[j % NBUF])
        nj = j + prime
        if nj < n_chunks:
            if nj - NBUF >= 0:
                o[nj - NBUF].wait()
            h[nj] = pltpu.async_copy(emb_hbm.at[idx_v.at[nj]],
                                     bufs.at[nj % NBUF], gs[nj % NBUF])
    for j in range(max(0, n_chunks - NBUF), n_chunks):
        o[j].wait()


def _sc_gather(tok_pad, pos_grid, emb):
    rows = tok_pad.shape[0] * NP
    n_chunks = rows // (NW * CHUNK)
    kern = functools.partial(
        pl.kernel,
        out_type=jax.ShapeDtypeStruct((rows, EMB), jnp.float32),
        mesh=plsc.VectorSubcoreMesh(core_axis_name="c", subcore_axis_name="s"),
        scratch_types=[
            pltpu.VMEM((n_chunks, CHUNK), jnp.int32),
            pltpu.VMEM((n_chunks, CHUNK), jnp.int32),
            pltpu.VMEM((NBUF, CHUNK, EMB), jnp.float32),
        ] + [pltpu.SemaphoreType.DMA] * (2 + 2 * NBUF),
    )(_sc_gather_body)
    return kern(tok_pad, pos_grid, emb)


TPB = 4


def _tc_body(g_ref, w_ref, b_ref, o_ref):
    w = w_ref[...].astype(jnp.bfloat16)
    bb = b_ref[...]
    for t in range(TPB):
        m = jnp.full((8, ENC), -jnp.inf, jnp.float32)
        carry = None
        for l in range(DEPTH, -1, -1):
            n = 1 << l
            g = g_ref[t, pl.ds(n, n), :]
            hb = lax.dot_general(g.astype(jnp.bfloat16), w,
                                 (((1,), (0,)), ((), ())),
                                 preferred_element_type=jnp.float32) + bb
            if carry is not None:
                hb = hb + carry
            if n >= 8:
                m = jnp.maximum(m, jnp.max(hb.reshape(n // 8, 8, ENC), axis=0))
            else:
                m = jnp.maximum(m, jnp.max(hb, axis=0, keepdims=True))
            if l > 0:
                k = n // 2
                carry = hb[:k] + hb[k:]
        o_ref[t] = jnp.max(m, axis=0, keepdims=True)


def _tc_encode(g3, W, b2):
    B = g3.shape[0]
    return pl.pallas_call(
        _tc_body,
        grid=(B // TPB,),
        in_specs=[
            pl.BlockSpec((TPB, NP, EMB), lambda i: (i, 0, 0)),
            pl.BlockSpec((EMB, ENC), lambda i: (0, 0)),
            pl.BlockSpec((1, ENC), lambda i: (0, 0)),
        ],
        out_specs=pl.BlockSpec((TPB, 1, ENC), lambda i: (i, 0, 0)),
        out_shape=jax.ShapeDtypeStruct((B, 1, ENC), jnp.float32),
    )(g3, W, b2)


def kernel(tokens, emb, W, b, bs):
    B, n = tokens.shape
    pos_grid = jnp.asarray(_OUTPOS)
    gathered = _sc_gather(tokens, pos_grid, emb)
    g3 = gathered.reshape(B, NP, EMB)
    return _tc_encode(g3, W, b.reshape(1, ENC)).reshape(B, ENC)

# --- scband reference (transcript-rebuilt; emitter-appended) ---
"""Pipeline reference for scband-batch-tree-encoder-74414603371108 (READ-ONLY COPY).

The authoritative reference and input builder live on the scoring server;
editing this copy changes nothing except your own understanding.
"""

import jax, jax.numpy as jnp
import numpy as np

VOCAB = 100000
EMB = 128
ENC = 128
B = 16
DEPTH = 10
N = 2 ** (DEPTH + 1) - 1  # 2047 nodes per tree, level-order complete binary tree


def setup_inputs(seed: int = 0) -> dict:
    key = jax.random.key(seed)
    k1, k2, k3 = jax.random.split(key, 3)
    # tokens[b, j] = token id of node j (level-order index) of tree b; parent(j) = (j-1)//2
    tokens = jax.random.randint(k1, (B, N), 0, VOCAB, dtype=jnp.int32)
    emb = jax.random.normal(k2, (VOCAB, EMB), dtype=jnp.float32) * 0.02
    W = jax.random.normal(k3, (EMB, ENC), dtype=jnp.float32) * (1.0 / np.sqrt(EMB))
    b = jnp.zeros((ENC,), dtype=jnp.float32)
    return {"tokens": tokens, "emb": emb, "W": W, "b": b, "bs": B}


def reference(tokens, emb, W, b, bs):
    # BatchTreeEncoder recursion, vectorized over identical complete binary trees:
    #   h(node) = W_c(embedding(token)) + sum_children h(child)
    #   (self.activation is never applied in traverse_mul)
    # Bottom-up accumulation level by level (children finalized before parents).
    h = jnp.take(emb, tokens, axis=0)            # [B, N, EMB] gather (memory-bound)
    h = jnp.einsum('bne,ec->bnc', h, W) + b      # W_c linear -> [B, N, ENC]
    for lvl in range(DEPTH, 0, -1):
        idx = np.arange(2 ** lvl - 1, 2 ** (lvl + 1) - 1)
        par = (idx - 1) // 2
        # scatter-add children into parents (duplicate parent indices accumulate)
        h = h.at[:, par, :].add(h[:, idx, :])
    # node_list holds one [bs, ENC] slice per visited subtree-root set; with identical
    # full trees every batch row is written in every entry, so the chunked torch.max
    # over node_list reduces to an elementwise max over all node encodings per tree.
    out = jnp.max(h, axis=1)                     # [B, ENC]
    return out

if __name__ == "__main__":
    import jax
    _d = setup_inputs()
    print(jax.jit(kernel)(*tuple(_d.values())))

</pallas_src>

<mosaic_0001>
#map = affine_map<(d0, d1) -> (0, 0)>
module attributes {stable_mosaic.version = 14 : i64} {
  func.func @_sc_gather_body(%arg0: i32, %arg1: i32, %arg2: memref<16x2047xi32, #tpu.memory_space<hbm>>, %arg3: memref<256x128xi32, #tpu.memory_space<hbm>>, %arg4: memref<100000x128xf32, #tpu.memory_space<hbm>>, %arg5: memref<32768x128xf32, #tpu.memory_space<hbm>>, %arg6: memref<8x128xi32, #tpu.memory_space<vmem>>, %arg7: memref<8x128xi32, #tpu.memory_space<vmem>>, %arg8: memref<6x128x128xf32, #tpu.memory_space<vmem>>, %arg9: memref<!tpu.dma_semaphore, #tpu.memory_space<semaphore_mem>>, %arg10: memref<!tpu.dma_semaphore, #tpu.memory_space<semaphore_mem>>, %arg11: memref<!tpu.dma_semaphore, #tpu.memory_space<semaphore_mem>>, %arg12: memref<!tpu.dma_semaphore, #tpu.memory_space<semaphore_mem>>, %arg13: memref<!tpu.dma_semaphore, #tpu.memory_space<semaphore_mem>>, %arg14: memref<!tpu.dma_semaphore, #tpu.memory_space<semaphore_mem>>, %arg15: memref<!tpu.dma_semaphore, #tpu.memory_space<semaphore_mem>>, %arg16: memref<!tpu.dma_semaphore, #tpu.memory_space<semaphore_mem>>, %arg17: memref<!tpu.dma_semaphore, #tpu.memory_space<semaphore_mem>>, %arg18: memref<!tpu.dma_semaphore, #tpu.memory_space<semaphore_mem>>, %arg19: memref<!tpu.dma_semaphore, #tpu.memory_space<semaphore_mem>>, %arg20: memref<!tpu.dma_semaphore, #tpu.memory_space<semaphore_mem>>, %arg21: memref<!tpu.dma_semaphore, #tpu.memory_space<semaphore_mem>>, %arg22: memref<!tpu.dma_semaphore, #tpu.memory_space<semaphore_mem>>) attributes {dimension_semantics = [#tpu.dimension_semantics<core_parallel>, #tpu.dimension_semantics<subcore_parallel>], iteration_bounds = array<i64: 2, 16>, scalar_prefetch = 0 : i64, scratch_operands = 17 : i64, tpu.core_type = #tpu.core_type<sc_vector_subcore>, window_params = [{transform_indices = #map}, {transform_indices = #map}, {transform_indices = #map}, {transform_indices = #map}]} {
    %mul3A = arith.constant 2 : i32
    %mul3A_0 = arith.muli %arg1, %mul3A : i32
    %add3A = arith.addi %mul3A_0, %arg0 : i32
    %jit3A = arith.constant 2 : i32
    %eq3A = arith.constant 0 : i32
    %eq3A_1 = arith.cmpi eq, %jit3A, %eq3A : i32
    %jit3A_2 = arith.constant 1 : i32
    %select_n3A = arith.select %eq3A_1, %jit3A_2, %jit3A : i32
    %rem3A = arith.remsi %add3A, %select_n3A : i32
    %ne3A = arith.constant 0 : i32
    %ne3A_3 = arith.cmpi ne, %rem3A, %ne3A : i32
    %lt3A = arith.constant 0 : i32
    %lt3A_4 = arith.cmpi slt, %rem3A, %lt3A : i32
    %lt3A_5 = arith.constant 0 : i32
    %lt3A_6 = arith.cmpi slt, %select_n3A, %lt3A_5 : i32
    %ne3A_7 = arith.xori %lt3A_4, %lt3A_6 : i1
    %and3A = arith.andi %ne3A_7, %ne3A_3 : i1
    %add3A_8 = arith.addi %rem3A, %select_n3A : i32
    %select_n3A_9 = arith.select %and3A, %add3A_8, %rem3A : i32
    %mul3A_10 = arith.constant 8 : i32
    %mul3A_11 = arith.muli %select_n3A_9, %mul3A_10 : i32
    %multiple_of3A = tpu.assume_multiple %mul3A_11, 8 : i32
    %jit3A_12 = arith.constant 2 : i32
    %div3A = arith.divsi %add3A, %jit3A_12 : i32
    %sign3A = arith.constant 0 : i32
    %sign3A_13 = arith.cmpi sgt, %add3A, %sign3A : i32
    %sign3A_14 = arith.extui %sign3A_13 : i1 to i32
    %sign3A_15 = arith.constant 0 : i32
    %sign3A_16 = arith.cmpi slt, %add3A, %sign3A_15 : i32
    %sign3A_17 = arith.extui %sign3A_16 : i1 to i32
    %sign3A_18 = arith.subi %sign3A_14, %sign3A_17 : i32
    %sign3A_19 = arith.constant 0 : i32
    %sign3A_20 = arith.cmpi sgt, %jit3A_12, %sign3A_19 : i32
    %sign3A_21 = arith.extui %sign3A_20 : i1 to i32
    %sign3A_22 = arith.constant 0 : i32
    %sign3A_23 = arith.cmpi slt, %jit3A_12, %sign3A_22 : i32
    %sign3A_24 = arith.extui %sign3A_23 : i1 to i32
    %sign3A_25 = arith.subi %sign3A_21, %sign3A_24 : i32
    %ne3A_26 = arith.cmpi ne, %sign3A_18, %sign3A_25 : i32
    %rem3A_27 = arith.remsi %add3A, %jit3A_12 : i32
    %ne3A_28 = arith.constant 0 : i32
    %ne3A_29 = arith.cmpi ne, %rem3A_27, %ne3A_28 : i32
    %and3A_30 = arith.andi %ne3A_26, %ne3A_29 : i1
    %sub3A = arith.constant 1 : i32
    %sub3A_31 = arith.subi %div3A, %sub3A : i32
    %select_n3A_32 = arith.select %and3A_30, %sub3A_31, %div3A : i32
    %mul3A_33 = arith.constant 128 : i32
    %mul3A_34 = arith.muli %select_n3A_32, %mul3A_33 : i32
    %multiple_of3A_35 = tpu.assume_multiple %mul3A_34, 128 : i32
    %mul3A_36 = arith.constant 8 : i32
    %mul3A_37 = arith.muli %add3A, %mul3A_36 : i32
    %dma_start3A = arith.constant 0 : i32
    %dma_start3A_38 = tpu.memref_slice %arg3[%mul3A_37, %dma_start3A] : memref<256x128xi32, #tpu.memory_space<hbm>> -> memref<8x128xi32, #tpu.memory_space<hbm>>
    %dma_start3A_39 = arith.constant 0 : i32
    %dma_start3A_40 = tpu.memref_slice %arg3[%mul3A_37, %dma_start3A_39] : memref<256x128xi32, #tpu.memory_space<hbm>> -> memref<8x128xi32, #tpu.memory_space<hbm>>
    tpu.enqueue_dma source(%dma_start3A_40 : memref<8x128xi32, #tpu.memory_space<hbm>>) target(%arg7 : memref<8x128xi32, #tpu.memory_space<vmem>>) target_semaphore(%arg10 : memref<!tpu.dma_semaphore, #tpu.memory_space<semaphore_mem>>)
    "tpu.region"() ({
      %run_scoped3A = tpu.sem_alloc : memref<!tpu.dma_semaphore, #tpu.memory_space<semaphore_mem>>
      %dma_start3A_455 = tpu.memref_slice %arg2[%multiple_of3A, %multiple_of3A_35] : memref<16x2047xi32, #tpu.memory_space<hbm>> -> memref<8x128xi32, #tpu.memory_space<hbm>>
      %dma_start3A_456 = tpu.memref_slice %arg2[%multiple_of3A, %multiple_of3A_35] : memref<16x2047xi32, #tpu.memory_space<hbm>> -> memref<8x128xi32, #tpu.memory_space<hbm>>
      tpu.enqueue_dma source(%dma_start3A_456 : memref<8x128xi32, #tpu.memory_space<hbm>>) target(%arg6 : memref<8x128xi32, #tpu.memory_space<vmem>>) target_semaphore(%run_scoped3A : memref<!tpu.dma_semaphore, #tpu.memory_space<semaphore_mem>>)
      %dma_wait3A_457 = tpu.memref_slice %arg2[%multiple_of3A, %multiple_of3A_35] : memref<16x2047xi32, #tpu.memory_space<hbm>> -> memref<8x128xi32, #tpu.memory_space<hbm>>
      %dma_wait3A_458 = tpu.memref_slice %arg2[%multiple_of3A, %multiple_of3A_35] : memref<16x2047xi32, #tpu.memory_space<hbm>> -> memref<8x128xi32, #tpu.memory_space<hbm>>
      tpu.wait_dma2 semaphore(%run_scoped3A : memref<!tpu.dma_semaphore, #tpu.memory_space<semaphore_mem>>) src(%dma_wait3A_458 : memref<8x128xi32, #tpu.memory_space<hbm>>) dst(%arg6 : memref<8x128xi32, #tpu.memory_space<vmem>>)
      tpu.yield
    }) : () -> ()
    %jit3A_41 = arith.constant 2 : i32
    %div3A_42 = arith.divsi %add3A, %jit3A_41 : i32
    %sign3A_43 = arith.constant 0 : i32
    %sign3A_44 = arith.cmpi sgt, %add3A, %sign3A_43 : i32
    %sign3A_45 = arith.extui %sign3A_44 : i1 to i32
    %sign3A_46 = arith.constant 0 : i32
    %sign3A_47 = arith.cmpi slt, %add3A, %sign3A_46 : i32
    %sign3A_48 = arith.extui %sign3A_47 : i1 to i32
    %sign3A_49 = arith.subi %sign3A_45, %sign3A_48 : i32
    %sign3A_50 = arith.constant 0 : i32
    %sign3A_51 = arith.cmpi sgt, %jit3A_41, %sign3A_50 : i32
    %sign3A_52 = arith.extui %sign3A_51 : i1 to i32
    %sign3A_53 = arith.constant 0 : i32
    %sign3A_54 = arith.cmpi slt, %jit3A_41, %sign3A_53 : i32
    %sign3A_55 = arith.extui %sign3A_54 : i1 to i32
    %sign3A_56 = arith.subi %sign3A_52, %sign3A_55 : i32
    %ne3A_57 = arith.cmpi ne, %sign3A_49, %sign3A_56 : i32
    %rem3A_58 = arith.remsi %add3A, %jit3A_41 : i32
    %ne3A_59 = arith.constant 0 : i32
    %ne3A_60 = arith.cmpi ne, %rem3A_58, %ne3A_59 : i32
    %and3A_61 = arith.andi %ne3A_57, %ne3A_60 : i1
    %sub3A_62 = arith.constant 1 : i32
    %sub3A_63 = arith.subi %div3A_42, %sub3A_62 : i32
    %select_n3A_64 = arith.select %and3A_61, %sub3A_63, %div3A_42 : i32
    %eq3A_65 = arith.constant 15 : i32
    %eq3A_66 = arith.cmpi eq, %select_n3A_64, %eq3A_65 : i32
    %convert_element_type3A = arith.extui %eq3A_66 : i1 to i32
    %cond3A = arith.constant 0 : i32
    %cond3A_67 = arith.cmpi ne, %convert_element_type3A, %cond3A : i32
    scf.if %cond3A_67 {
      %iota3A = tpu.iota {dimensions = array<i32: 0>} : vector<16xi32>
      %get3A = arith.constant 0 : i32
      %get3A_455 = arith.index_cast %get3A : i32 to index
      %get3A_456 = arith.constant 112 : index
      %get3A_457 = tpu.vector_load %arg6[%get3A_455, %get3A_456] {strides = array<i32>} : memref<8x128xi32, #tpu.memory_space<vmem>>, vector<1x16xi32>,
      %get3A_458 = vector.shape_cast %get3A_457 : vector<1x16xi32> to vector<16xi32>
      %eq3A_459 = arith.constant 15 : i32
      %eq3A_460 = vector.broadcast %eq3A_459 : i32 to vector<16xi32>
      %eq3A_461 = arith.cmpi eq, %iota3A, %eq3A_460 : vector<16xi32>
      %jit3A_462 = arith.constant 0 : i32
      %broadcast_in_dim3A = vector.broadcast %jit3A_462 : i32 to vector<16xi32>
      %select_n3A_463 = arith.select %eq3A_461, %broadcast_in_dim3A, %get3A_458 : vector<16xi1>, vector<16xi32>
      %swap3A = arith.constant 0 : i32
      %swap3A_464 = arith.index_cast %swap3A : i32 to index
      %swap3A_465 = arith.constant 112 : index
      %swap3A_466 = tpu.vector_load %arg6[%swap3A_464, %swap3A_465] {strides = array<i32>} : memref<8x128xi32, #tpu.memory_space<vmem>>, vector<1x16xi32>,
      %swap3A_467 = vector.shape_cast %swap3A_466 : vector<1x16xi32> to vector<16xi32>
      %swap3A_468 = vector.shape_cast %select_n3A_463 : vector<16xi32> to vector<1x16xi32>
      tpu.vector_store %arg6[%swap3A_464, %swap3A_465], %swap3A_468 {strides = array<i32>} : memref<8x128xi32, #tpu.memory_space<vmem>>, vector<1x16xi32>,
      %get3A_469 = arith.constant 1 : i32
      %get3A_470 = arith.index_cast %get3A_469 : i32 to index
      %get3A_471 = arith.constant 112 : index
      %get3A_472 = tpu.vector_load %arg6[%get3A_470, %get3A_471] {strides = array<i32>} : memref<8x128xi32, #tpu.memory_space<vmem>>, vector<1x16xi32>,
      %get3A_473 = vector.shape_cast %get3A_472 : vector<1x16xi32> to vector<16xi32>
      %eq3A_474 = arith.constant 15 : i32
      %eq3A_475 = vector.broadcast %eq3A_474 : i32 to vector<16xi32>
      %eq3A_476 = arith.cmpi eq, %iota3A, %eq3A_475 : vector<16xi32>
      %jit3A_477 = arith.constant 0 : i32
      %broadcast_in_dim3A_478 = vector.broadcast %jit3A_477 : i32 to vector<16xi32>
      %select_n3A_479 = arith.select %eq3A_476, %broadcast_in_dim3A_478, %get3A_473 : vector<16xi1>, vector<16xi32>
      %swap3A_480 = arith.constant 1 : i32
      %swap3A_481 = arith.index_cast %swap3A_480 : i32 to index
      %swap3A_482 = arith.constant 112 : index
      %swap3A_483 = tpu.vector_load %arg6[%swap3A_481, %swap3A_482] {strides = array<i32>} : memref<8x128xi32, #tpu.memory_space<vmem>>, vector<1x16xi32>,
      %swap3A_484 = vector.shape_cast %swap3A_483 : vector<1x16xi32> to vector<16xi32>
      %swap3A_485 = vector.shape_cast %select_n3A_479 : vector<16xi32> to vector<1x16xi32>
      tpu.vector_store %arg6[%swap3A_481, %swap3A_482], %swap3A_485 {strides = array<i32>} : memref<8x128xi32, #tpu.memory_space<vmem>>, vector<1x16xi32>,
      %get3A_486 = arith.constant 2 : i32
      %get3A_487 = arith.index_cast %get3A_486 : i32 to index
      %get3A_488 = arith.constant 112 : index
      %get3A_489 = tpu.vector_load %arg6[%get3A_487, %get3A_488] {strides = array<i32>} : memref<8x128xi32, #tpu.memory_space<vmem>>, vector<1x16xi32>,
      %get3A_490 = vector.shape_cast %get3A_489 : vector<1x16xi32> to vector<16xi32>
      %eq3A_491 = arith.constant 15 : i32
      %eq3A_492 = vector.broadcast %eq3A_491 : i32 to vector<16xi32>
      %eq3A_493 = arith.cmpi eq, %iota3A, %eq3A_492 : vector<16xi32>
      %jit3A_494 = arith.constant 0 : i32
      %broadcast_in_dim3A_495 = vector.broadcast %jit3A_494 : i32 to vector<16xi32>
      %select_n3A_496 = arith.select %eq3A_493, %broadcast_in_dim3A_495, %get3A_490 : vector<16xi1>, vector<16xi32>
      %swap3A_497 = arith.constant 2 : i32
      %swap3A_498 = arith.index_cast %swap3A_497 : i32 to index
      %swap3A_499 = arith.constant 112 : index
      %swap3A_500 = tpu.vector_load %arg6[%swap3A_498, %swap3A_499] {strides = array<i32>} : memref<8x128xi32, #tpu.memory_space<vmem>>, vector<1x16xi32>,
      %swap3A_501 = vector.shape_cast %swap3A_500 : vector<1x16xi32> to vector<16xi32>
      %swap3A_502 = vector.shape_cast %select_n3A_496 : vector<16xi32> to vector<1x16xi32>
      tpu.vector_store %arg6[%swap3A_498, %swap3A_499], %swap3A_502 {strides = array<i32>} : memref<8x128xi32, #tpu.memory_space<vmem>>, vector<1x16xi32>,
      %get3A_503 = arith.constant 3 : i32
      %get3A_504 = arith.index_cast %get3A_503 : i32 to index
      %get3A_505 = arith.constant 112 : index
      %get3A_506 = tpu.vector_load %arg6[%get3A_504, %get3A_505] {strides = array<i32>} : memref<8x128xi32, #tpu.memory_space<vmem>>, vector<1x16xi32>,
      %get3A_507 = vector.shape_cast %get3A_506 : vector<1x16xi32> to vector<16xi32>
      %eq3A_508 = arith.constant 15 : i32
      %eq3A_509 = vector.broadcast %eq3A_508 : i32 to vector<16xi32>
      %eq3A_510 = arith.cmpi eq, %iota3A, %eq3A_509 : vector<16xi32>
      %jit3A_511 = arith.constant 0 : i32
      %broadcast_in_dim3A_512 = vector.broadcast %jit3A_511 : i32 to vector<16xi32>
      %select_n3A_513 = arith.select %eq3A_510, %broadcast_in_dim3A_512, %get3A_507 : vector<16xi1>, vector<16xi32>
      %swap3A_514 = arith.constant 3 : i32
      %swap3A_515 = arith.index_cast %swap3A_514 : i32 to index
      %swap3A_516 = arith.constant 112 : index
      %swap3A_517 = tpu.vector_load %arg6[%swap3A_515, %swap3A_516] {strides = array<i32>} : memref<8x128xi32, #tpu.memory_space<vmem>>, vector<1x16xi32>,
      %swap3A_518 = vector.shape_cast %swap3A_517 : vector<1x16xi32> to vector<16xi32>
      %swap3A_519 = vector.shape_cast %select_n3A_513 : vector<16xi32> to vector<1x16xi32>
      tpu.vector_store %arg6[%swap3A_515, %swap3A_516], %swap3A_519 {strides = array<i32>} : memref<8x128xi32, #tpu.memory_space<vmem>>, vector<1x16xi32>,
      %get3A_520 = arith.constant 4 : i32
      %get3A_521 = arith.index_cast %get3A_520 : i32 to index
      %get3A_522 = arith.constant 112 : index
      %get3A_523 = tpu.vector_load %arg6[%get3A_521, %get3A_522] {strides = array<i32>} : memref<8x128xi32, #tpu.memory_space<vmem>>, vector<1x16xi32>,
      %get3A_524 = vector.shape_cast %get3A_523 : vector<1x16xi32> to vector<16xi32>
      %eq3A_525 = arith.constant 15 : i32
      %eq3A_526 = vector.broadcast %eq3A_525 : i32 to vector<16xi32>
      %eq3A_527 = arith.cmpi eq, %iota3A, %eq3A_526 : vector<16xi32>
      %jit3A_528 = arith.constant 0 : i32
      %broadcast_in_dim3A_529 = vector.broadcast %jit3A_528 : i32 to vector<16xi32>
      %select_n3A_530 = arith.select %eq3A_527, %broadcast_in_dim3A_529, %get3A_524 : vector<16xi1>, vector<16xi32>
      %swap3A_531 = arith.constant 4 : i32
      %swap3A_532 = arith.index_cast %swap3A_531 : i32 to index
      %swap3A_533 = arith.constant 112 : index
      %swap3A_534 = tpu.vector_load %arg6[%swap3A_532, %swap3A_533] {strides = array<i32>} : memref<8x128xi32, #tpu.memory_space<vmem>>, vector<1x16xi32>,
      %swap3A_535 = vector.shape_cast %swap3A_534 : vector<1x16xi32> to vector<16xi32>
      %swap3A_536 = vector.shape_cast %select_n3A_530 : vector<16xi32> to vector<1x16xi32>
      tpu.vector_store %arg6[%swap3A_532, %swap3A_533], %swap3A_536 {strides = array<i32>} : memref<8x128xi32, #tpu.memory_space<vmem>>, vector<1x16xi32>,
      %get3A_537 = arith.constant 5 : i32
      %get3A_538 = arith.index_cast %get3A_537 : i32 to index
      %get3A_539 = arith.constant 112 : index
      %get3A_540 = tpu.vector_load %arg6[%get3A_538, %get3A_539] {strides = array<i32>} : memref<8x128xi32, #tpu.memory_space<vmem>>, vector<1x16xi32>,
      %get3A_541 = vector.shape_cast %get3A_540 : vector<1x16xi32> to vector<16xi32>
      %eq3A_542 = arith.constant 15 : i32
      %eq3A_543 = vector.broadcast %eq3A_542 : i32 to vector<16xi32>
      %eq3A_544 = arith.cmpi eq, %iota3A, %eq3A_543 : vector<16xi32>
      %jit3A_545 = arith.constant 0 : i32
      %broadcast_in_dim3A_546 = vector.broadcast %jit3A_545 : i32 to vector<16xi32>
      %select_n3A_547 = arith.select %eq3A_544, %broadcast_in_dim3A_546, %get3A_541 : vector<16xi1>, vector<16xi32>
      %swap3A_548 = arith.constant 5 : i32
      %swap3A_549 = arith.index_cast %swap3A_548 : i32 to index
      %swap3A_550 = arith.constant 112 : index
      %swap3A_551 = tpu.vector_load %arg6[%swap3A_549, %swap3A_550] {strides = array<i32>} : memref<8x128xi32, #tpu.memory_space<vmem>>, vector<1x16xi32>,
      %swap3A_552 = vector.shape_cast %swap3A_551 : vector<1x16xi32> to vector<16xi32>
      %swap3A_553 = vector.shape_cast %select_n3A_547 : vector<16xi32> to vector<1x16xi32>
      tpu.vector_store %arg6[%swap3A_549, %swap3A_550], %swap3A_553 {strides = array<i32>} : memref<8x128xi32, #tpu.memory_space<vmem>>, vector<1x16xi32>,
      %get3A_554 = arith.constant 6 : i32
      %get3A_555 = arith.index_cast %get3A_554 : i32 to index
      %get3A_556 = arith.constant 112 : index
      %get3A_557 = tpu.vector_load %arg6[%get3A_555, %get3A_556] {strides = array<i32>} : memref<8x128xi32, #tpu.memory_space<vmem>>, vector<1x16xi32>,
      %get3A_558 = vector.shape_cast %get3A_557 : vector<1x16xi32> to vector<16xi32>
      %eq3A_559 = arith.constant 15 : i32
      %eq3A_560 = vector.broadcast %eq3A_559 : i32 to vector<16xi32>
      %eq3A_561 = arith.cmpi eq, %iota3A, %eq3A_560 : vector<16xi32>
      %jit3A_562 = arith.constant 0 : i32
      %broadcast_in_dim3A_563 = vector.broadcast %jit3A_562 : i32 to vector<16xi32>
      %select_n3A_564 = arith.select %eq3A_561, %broadcast_in_dim3A_563, %get3A_558 : vector<16xi1>, vector<16xi32>
      %swap3A_565 = arith.constant 6 : i32
      %swap3A_566 = arith.index_cast %swap3A_565 : i32 to index
      %swap3A_567 = arith.constant 112 : index
      %swap3A_568 = tpu.vector_load %arg6[%swap3A_566, %swap3A_567] {strides = array<i32>} : memref<8x128xi32, #tpu.memory_space<vmem>>, vector<1x16xi32>,
      %swap3A_569 = vector.shape_cast %swap3A_568 : vector<1x16xi32> to vector<16xi32>
      %swap3A_570 = vector.shape_cast %select_n3A_564 : vector<16xi32> to vector<1x16xi32>
      tpu.vector_store %arg6[%swap3A_566, %swap3A_567], %swap3A_570 {strides = array<i32>} : memref<8x128xi32, #tpu.memory_space<vmem>>, vector<1x16xi32>,
      %get3A_571 = arith.constant 7 : i32
      %get3A_572 = arith.index_cast %get3A_571 : i32 to index
      %get3A_573 = arith.constant 112 : index
      %get3A_574 = tpu.vector_load %arg6[%get3A_572, %get3A_573] {strides = array<i32>} : memref<8x128xi32, #tpu.memory_space<vmem>>, vector<1x16xi32>,
      %get3A_575 = vector.shape_cast %get3A_574 : vector<1x16xi32> to vector<16xi32>
      %eq3A_576 = arith.constant 15 : i32
      %eq3A_577 = vector.broadcast %eq3A_576 : i32 to vector<16xi32>
      %eq3A_578 = arith.cmpi eq, %iota3A, %eq3A_577 : vector<16xi32>
      %jit3A_579 = arith.constant 0 : i32
      %broadcast_in_dim3A_580 = vector.broadcast %jit3A_579 : i32 to vector<16xi32>
      %select_n3A_581 = arith.select %eq3A_578, %broadcast_in_dim3A_580, %get3A_575 : vector<16xi1>, vector<16xi32>
      %swap3A_582 = arith.constant 7 : i32
      %swap3A_583 = arith.index_cast %swap3A_582 : i32 to index
      %swap3A_584 = arith.constant 112 : index
      %swap3A_585 = tpu.vector_load %arg6[%swap3A_583, %swap3A_584] {strides = array<i32>} : memref<8x128xi32, #tpu.memory_space<vmem>>, vector<1x16xi32>,
      %swap3A_586 = vector.shape_cast %swap3A_585 : vector<1x16xi32> to vector<16xi32>
      %swap3A_587 = vector.shape_cast %select_n3A_581 : vector<16xi32> to vector<1x16xi32>
      tpu.vector_store %arg6[%swap3A_583, %swap3A_584], %swap3A_587 {strides = array<i32>} : memref<8x128xi32, #tpu.memory_space<vmem>>, vector<1x16xi32>,
    } else {
    }
    %dma_wait3A = arith.constant 0 : i32
    %dma_wait3A_68 = tpu.memref_slice %arg3[%mul3A_37, %dma_wait3A] : memref<256x128xi32, #tpu.memory_space<hbm>> -> memref<8x128xi32, #tpu.memory_space<hbm>>
    %dma_wait3A_69 = arith.constant 0 : i32
    %dma_wait3A_70 = tpu.memref_slice %arg3[%mul3A_37, %dma_wait3A_69] : memref<256x128xi32, #tpu.memory_space<hbm>> -> memref<8x128xi32, #tpu.memory_space<hbm>>
    tpu.wait_dma2 semaphore(%arg10 : memref<!tpu.dma_semaphore, #tpu.memory_space<semaphore_mem>>) src(%dma_wait3A_70 : memref<8x128xi32, #tpu.memory_space<hbm>>) dst(%arg7 : memref<8x128xi32, #tpu.memory_space<vmem>>)
    %dma_start3A_71 = arith.constant 0 : i32
    %dma_start3A_72 = arith.constant 0 : i32
    %dma_start3A_73 = arith.constant 0 : i32
    %dma_start3A_74 = arith.constant 0 : i32
    %dma_start3A_75 = tpu.memref_slice %arg8[%dma_start3A_72, %dma_start3A_73, %dma_start3A_74] : memref<6x128x128xf32, #tpu.memory_space<vmem>> -> memref<1x128x128xf32, #tpu.memory_space<vmem>>
    %dma_start3A_76 = tpu.memref_squeeze %dma_start3A_75 : memref<1x128x128xf32, #tpu.memory_space<vmem>> -> memref<128x128xf32, #tpu.memory_space<vmem>>
    %dma_start3A_77 = arith.constant 0 : i32
    %dma_start3A_78 = tpu.memref_slice %arg6[%dma_start3A_71, %dma_start3A_77] : memref<8x128xi32, #tpu.memory_space<vmem>> -> memref<1x128xi32, #tpu.memory_space<vmem>>
    %dma_start3A_79 = tpu.memref_squeeze %dma_start3A_78 : memref<1x128xi32, #tpu.memory_space<vmem>> -> memref<128xi32, #tpu.memory_space<vmem>>
    %dma_start3A_80 = arith.constant 0 : i32
    %dma_start3A_81 = arith.constant 0 : i32
    %dma_start3A_82 = tpu.memref_slice %arg4[%dma_start3A_80, %dma_start3A_81] : memref<100000x128xf32, #tpu.memory_space<hbm>> -> memref<100000x128xf32, #tpu.memory_space<hbm>>
    tpu.enqueue_indirect_dma source(%dma_start3A_82 : memref<100000x128xf32, #tpu.memory_space<hbm>>) target(%dma_start3A_76 : memref<128x128xf32, #tpu.memory_space<vmem>>) offsets(%dma_start3A_79 : memref<128xi32, #tpu.memory_space<vmem>>) semaphore(%arg11 : memref<!tpu.dma_semaphore, #tpu.memory_space<semaphore_mem>>)
    %dma_start3A_83 = arith.constant 1 : i32
    %dma_start3A_84 = arith.constant 1 : i32
    %dma_start3A_85 = arith.constant 0 : i32
    %dma_start3A_86 = arith.constant 0 : i32
    %dma_start3A_87 = tpu.memref_slice %arg8[%dma_start3A_84, %dma_start3A_85, %dma_start3A_86] : memref<6x128x128xf32, #tpu.memory_space<vmem>> -> memref<1x128x128xf32, #tpu.memory_space<vmem>>
    %dma_start3A_88 = tpu.memref_squeeze %dma_start3A_87 : memref<1x128x128xf32, #tpu.memory_space<vmem>> -> memref<128x128xf32, #tpu.memory_space<vmem>>
    %dma_start3A_89 = arith.constant 0 : i32
    %dma_start3A_90 = tpu.memref_slice %arg6[%dma_start3A_83, %dma_start3A_89] : memref<8x128xi32, #tpu.memory_space<vmem>> -> memref<1x128xi32, #tpu.memory_space<vmem>>
    %dma_start3A_91 = tpu.memref_squeeze %dma_start3A_90 : memref<1x128xi32, #tpu.memory_space<vmem>> -> memref<128xi32, #tpu.memory_space<vmem>>
    %dma_start3A_92 = arith.constant 0 : i32
    %dma_start3A_93 = arith.constant 0 : i32
    %dma_start3A_94 = tpu.memref_slice %arg4[%dma_start3A_92, %dma_start3A_93] : memref<100000x128xf32, #tpu.memory_space<hbm>> -> memref<100000x128xf32, #tpu.memory_space<hbm>>
    tpu.enqueue_indirect_dma source(%dma_start3A_94 : memref<100000x128xf32, #tpu.memory_space<hbm>>) target(%dma_start3A_88 : memref<128x128xf32, #tpu.memory_space<vmem>>) offsets(%dma_start3A_91 : memref<128xi32, #tpu.memory_space<vmem>>) semaphore(%arg12 : memref<!tpu.dma_semaphore, #tpu.memory_space<semaphore_mem>>)
    %dma_start3A_95 = arith.constant 2 : i32
    %dma_start3A_96 = arith.constant 2 : i32
    %dma_start3A_97 = arith.constant 0 : i32
    %dma_start3A_98 = arith.constant 0 : i32
    %dma_start3A_99 = tpu.memref_slice %arg8[%dma_start3A_96, %dma_start3A_97, %dma_start3A_98] : memref<6x128x128xf32, #tpu.memory_space<vmem>> -> memref<1x128x128xf32, #tpu.memory_space<vmem>>
    %dma_start3A_100 = tpu.memref_squeeze %dma_start3A_99 : memref<1x128x128xf32, #tpu.memory_space<vmem>> -> memref<128x128xf32, #tpu.memory_space<vmem>>
    %dma_start3A_101 = arith.constant 0 : i32
    %dma_start3A_102 = tpu.memref_slice %arg6[%dma_start3A_95, %dma_start3A_101] : memref<8x128xi32, #tpu.memory_space<vmem>> -> memref<1x128xi32, #tpu.memory_space<vmem>>
    %dma_start3A_103 = tpu.memref_squeeze %dma_start3A_102 : memref<1x128xi32, #tpu.memory_space<vmem>> -> memref<128xi32, #tpu.memory_space<vmem>>
    %dma_start3A_104 = arith.constant 0 : i32
    %dma_start3A_105 = arith.constant 0 : i32
    %dma_start3A_106 = tpu.memref_slice %arg4[%dma_start3A_104, %dma_start3A_105] : memref<100000x128xf32, #tpu.memory_space<hbm>> -> memref<100000x128xf32, #tpu.memory_space<hbm>>
    tpu.enqueue_indirect_dma source(%dma_start3A_106 : memref<100000x128xf32, #tpu.memory_space<hbm>>) target(%dma_start3A_100 : memref<128x128xf32, #tpu.memory_space<vmem>>) offsets(%dma_start3A_103 : memref<128xi32, #tpu.memory_space<vmem>>) semaphore(%arg13 : memref<!tpu.dma_semaphore, #tpu.memory_space<semaphore_mem>>)
    %dma_start3A_107 = arith.constant 3 : i32
    %dma_start3A_108 = arith.constant 3 : i32
    %dma_start3A_109 = arith.constant 0 : i32
    %dma_start3A_110 = arith.constant 0 : i32
    %dma_start3A_111 = tpu.memref_slice %arg8[%dma_start3A_108, %dma_start3A_109, %dma_start3A_110] : memref<6x128x128xf32, #tpu.memory_space<vmem>> -> memref<1x128x128xf32, #tpu.memory_space<vmem>>
    %dma_start3A_112 = tpu.memref_squeeze %dma_start3A_111 : memref<1x128x128xf32, #tpu.memory_space<vmem>> -> memref<128x128xf32, #tpu.memory_space<vmem>>
    %dma_start3A_113 = arith.constant 0 : i32
    %dma_start3A_114 = tpu.memref_slice %arg6[%dma_start3A_107, %dma_start3A_113] : memref<8x128xi32, #tpu.memory_space<vmem>> -> memref<1x128xi32, #tpu.memory_space<vmem>>
    %dma_start3A_115 = tpu.memref_squeeze %dma_start3A_114 : memref<1x128xi32, #tpu.memory_space<vmem>> -> memref<128xi32, #tpu.memory_space<vmem>>
    %dma_start3A_116 = arith.constant 0 : i32
    %dma_start3A_117 = arith.constant 0 : i32
    %dma_start3A_118 = tpu.memref_slice %arg4[%dma_start3A_116, %dma_start3A_117] : memref<100000x128xf32, #tpu.memory_space<hbm>> -> memref<100000x128xf32, #tpu.memory_space<hbm>>
    tpu.enqueue_indirect_dma source(%dma_start3A_118 : memref<100000x128xf32, #tpu.memory_space<hbm>>) target(%dma_start3A_112 : memref<128x128xf32, #tpu.memory_space<vmem>>) offsets(%dma_start3A_115 : memref<128xi32, #tpu.memory_space<vmem>>) semaphore(%arg14 : memref<!tpu.dma_semaphore, #tpu.memory_space<semaphore_mem>>)
    %dma_start3A_119 = arith.constant 4 : i32
    %dma_start3A_120 = arith.constant 4 : i32
    %dma_start3A_121 = arith.constant 0 : i32
    %dma_start3A_122 = arith.constant 0 : i32
    %dma_start3A_123 = tpu.memref_slice %arg8[%dma_start3A_120, %dma_start3A_121, %dma_start3A_122] : memref<6x128x128xf32, #tpu.memory_space<vmem>> -> memref<1x128x128xf32, #tpu.memory_space<vmem>>
    %dma_start3A_124 = tpu.memref_squeeze %dma_start3A_123 : memref<1x128x128xf32, #tpu.memory_space<vmem>> -> memref<128x128xf32, #tpu.memory_space<vmem>>
    %dma_start3A_125 = arith.constant 0 : i32
    %dma_start3A_126 = tpu.memref_slice %arg6[%dma_start3A_119, %dma_start3A_125] : memref<8x128xi32, #tpu.memory_space<vmem>> -> memref<1x128xi32, #tpu.memory_space<vmem>>
    %dma_start3A_127 = tpu.memref_squeeze %dma_start3A_126 : memref<1x128xi32, #tpu.memory_space<vmem>> -> memref<128xi32, #tpu.memory_space<vmem>>
    %dma_start3A_128 = arith.constant 0 : i32
    %dma_start3A_129 = arith.constant 0 : i32
    %dma_start3A_130 = tpu.memref_slice %arg4[%dma_start3A_128, %dma_start3A_129] : memref<100000x128xf32, #tpu.memory_space<hbm>> -> memref<100000x128xf32, #tpu.memory_space<hbm>>
    tpu.enqueue_indirect_dma source(%dma_start3A_130 : memref<100000x128xf32, #tpu.memory_space<hbm>>) target(%dma_start3A_124 : memref<128x128xf32, #tpu.memory_space<vmem>>) offsets(%dma_start3A_127 : memref<128xi32, #tpu.memory_space<vmem>>) semaphore(%arg15 : memref<!tpu.dma_semaphore, #tpu.memory_space<semaphore_mem>>)
    %dma_wait3A_131 = arith.constant 0 : i32
    %dma_wait3A_132 = arith.constant 0 : i32
    %dma_wait3A_133 = arith.constant 0 : i32
    %dma_wait3A_134 = arith.constant 0 : i32
    %dma_wait3A_135 = tpu.memref_slice %arg8[%dma_wait3A_132, %dma_wait3A_133, %dma_wait3A_134] : memref<6x128x128xf32, #tpu.memory_space<vmem>> -> memref<1x128x128xf32, #tpu.memory_space<vmem>>
    %dma_wait3A_136 = tpu.memref_squeeze %dma_wait3A_135 : memref<1x128x128xf32, #tpu.memory_space<vmem>> -> memref<128x128xf32, #tpu.memory_space<vmem>>
    %dma_wait3A_137 = arith.constant 0 : i32
    %dma_wait3A_138 = tpu.memref_slice %arg6[%dma_wait3A_131, %dma_wait3A_137] : memref<8x128xi32, #tpu.memory_space<vmem>> -> memref<1x128xi32, #tpu.memory_space<vmem>>
    %dma_wait3A_139 = tpu.memref_squeeze %dma_wait3A_138 : memref<1x128xi32, #tpu.memory_space<vmem>> -> memref<128xi32, #tpu.memory_space<vmem>>
    %dma_wait3A_140 = arith.constant 0 : i32
    %dma_wait3A_141 = arith.constant 0 : i32
    %dma_wait3A_142 = tpu.memref_slice %arg4[%dma_wait3A_140, %dma_wait3A_141] : memref<100000x128xf32, #tpu.memory_space<hbm>> -> memref<100000x128xf32, #tpu.memory_space<hbm>>
    tpu.wait_indirect_dma semaphore(%arg11 : memref<!tpu.dma_semaphore, #tpu.memory_space<semaphore_mem>>) src(%dma_wait3A_142 : memref<100000x128xf32, #tpu.memory_space<hbm>>) dst(%dma_wait3A_136 : memref<128x128xf32, #tpu.memory_space<vmem>>)
    %dma_start3A_143 = arith.constant 0 : i32
    %dma_start3A_144 = arith.constant 0 : i32
    %dma_start3A_145 = arith.constant 0 : i32
    %dma_start3A_146 = arith.constant 0 : i32
    %dma_start3A_147 = tpu.memref_slice %arg8[%dma_start3A_143, %dma_start3A_145, %dma_start3A_146] : memref<6x128x128xf32, #tpu.memory_space<vmem>> -> memref<1x128x128xf32, #tpu.memory_space<vmem>>
    %dma_start3A_148 = tpu.memref_squeeze %dma_start3A_147 : memref<1x128x128xf32, #tpu.memory_space<vmem>> -> memref<128x128xf32, #tpu.memory_space<vmem>>
    %dma_start3A_149 = arith.constant 0 : i32
    %dma_start3A_150 = tpu.memref_slice %arg7[%dma_start3A_144, %dma_start3A_149] : memref<8x128xi32, #tpu.memory_space<vmem>> -> memref<1x128xi32, #tpu.memory_space<vmem>>
    %dma_start3A_151 = tpu.memref_squeeze %dma_start3A_150 : memref<1x128xi32, #tpu.memory_space<vmem>> -> memref<128xi32, #tpu.memory_space<vmem>>
    %dma_start3A_152 = arith.constant 0 : i32
    %dma_start3A_153 = arith.constant 0 : i32
    %dma_start3A_154 = tpu.memref_slice %arg5[%dma_start3A_152, %dma_start3A_153] : memref<32768x128xf32, #tpu.memory_space<hbm>> -> memref<32768x128xf32, #tpu.memory_space<hbm>>
    tpu.enqueue_indirect_dma source(%dma_start3A_148 : memref<128x128xf32, #tpu.memory_space<vmem>>) target(%dma_start3A_154 : memref<32768x128xf32, #tpu.memory_space<hbm>>) offsets(%dma_start3A_151 : memref<128xi32, #tpu.memory_space<vmem>>) semaphore(%arg17 : memref<!tpu.dma_semaphore, #tpu.memory_space<semaphore_mem>>)
    %dma_start3A_155 = arith.constant 5 : i32
    %dma_start3A_156 = arith.constant 5 : i32
    %dma_start3A_157 = arith.constant 0 : i32
    %dma_start3A_158 = arith.constant 0 : i32
    %dma_start3A_159 = tpu.memref_slice %arg8[%dma_start3A_156, %dma_start3A_157, %dma_start3A_158] : memref<6x128x128xf32, #tpu.memory_space<vmem>> -> memref<1x128x128xf32, #tpu.memory_space<vmem>>
    %dma_start3A_160 = tpu.memref_squeeze %dma_start3A_159 : memref<1x128x128xf32, #tpu.memory_space<vmem>> -> memref<128x128xf32, #tpu.memory_space<vmem>>
    %dma_start3A_161 = arith.constant 0 : i32
    %dma_start3A_162 = tpu.memref_slice %arg6[%dma_start3A_155, %dma_start3A_161] : memref<8x128xi32, #tpu.memory_space<vmem>> -> memref<1x128xi32, #tpu.memory_space<vmem>>
    %dma_start3A_163 = tpu.memref_squeeze %dma_start3A_162 : memref<1x128xi32, #tpu.memory_space<vmem>> -> memref<128xi32, #tpu.memory_space<vmem>>
    %dma_start3A_164 = arith.constant 0 : i32
    %dma_start3A_165 = arith.constant 0 : i32
    %dma_start3A_166 = tpu.memref_slice %arg4[%dma_start3A_164, %dma_start3A_165] : memref<100000x128xf32, #tpu.memory_space<hbm>> -> memref<100000x128xf32, #tpu.memory_space<hbm>>
    tpu.enqueue_indirect_dma source(%dma_start3A_166 : memref<100000x128xf32, #tpu.memory_space<hbm>>) target(%dma_start3A_160 : memref<128x128xf32, #tpu.memory_space<vmem>>) offsets(%dma_start3A_163 : memref<128xi32, #tpu.memory_space<vmem>>) semaphore(%arg16 : memref<!tpu.dma_semaphore, #tpu.memory_space<semaphore_mem>>)
    %dma_wait3A_167 = arith.constant 1 : i32
    %dma_wait3A_168 = arith.constant 1 : i32
    %dma_wait3A_169 = arith.constant 0 : i32
    %dma_wait3A_170 = arith.constant 0 : i32
    %dma_wait3A_171 = tpu.memref_slice %arg8[%dma_wait3A_168, %dma_wait3A_169, %dma_wait3A_170] : memref<6x128x128xf32, #tpu.memory_space<vmem>> -> memref<1x128x128xf32, #tpu.memory_space<vmem>>
    %dma_wait3A_172 = tpu.memref_squeeze %dma_wait3A_171 : memref<1x128x128xf32, #tpu.memory_space<vmem>> -> memref<128x128xf32, #tpu.memory_space<vmem>>
    %dma_wait3A_173 = arith.constant 0 : i32
    %dma_wait3A_174 = tpu.memref_slice %arg6[%dma_wait3A_167, %dma_wait3A_173] : memref<8x128xi32, #tpu.memory_space<vmem>> -> memref<1x128xi32, #tpu.memory_space<vmem>>
    %dma_wait3A_175 = tpu.memref_squeeze %dma_wait3A_174 : memref<1x128xi32, #tpu.memory_space<vmem>> -> memref<128xi32, #tpu.memory_space<vmem>>
    %dma_wait3A_176 = arith.constant 0 : i32
    %dma_wait3A_177 = arith.constant 0 : i32
    %dma_wait3A_178 = tpu.memref_slice %arg4[%dma_wait3A_176, %dma_wait3A_177] : memref<100000x128xf32, #tpu.memory_space<hbm>> -> memref<100000x128xf32, #tpu.memory_space<hbm>>
    tpu.wait_indirect_dma semaphore(%arg12 : memref<!tpu.dma_semaphore, #tpu.memory_space<semaphore_mem>>) src(%dma_wait3A_178 : memref<100000x128xf32, #tpu.memory_space<hbm>>) dst(%dma_wait3A_172 : memref<128x128xf32, #tpu.memory_space<vmem>>)
    %dma_start3A_179 = arith.constant 1 : i32
    %dma_start3A_180 = arith.constant 1 : i32
    %dma_start3A_181 = arith.constant 0 : i32
    %dma_start3A_182 = arith.constant 0 : i32
    %dma_start3A_183 = tpu.memref_slice %arg8[%dma_start3A_179, %dma_start3A_181, %dma_start3A_182] : memref<6x128x128xf32, #tpu.memory_space<vmem>> -> memref<1x128x128xf32, #tpu.memory_space<vmem>>
    %dma_start3A_184 = tpu.memref_squeeze %dma_start3A_183 : memref<1x128x128xf32, #tpu.memory_space<vmem>> -> memref<128x128xf32, #tpu.memory_space<vmem>>
    %dma_start3A_185 = arith.constant 0 : i32
    %dma_start3A_186 = tpu.memref_slice %arg7[%dma_start3A_180, %dma_start3A_185] : memref<8x128xi32, #tpu.memory_space<vmem>> -> memref<1x128xi32, #tpu.memory_space<vmem>>
    %dma_start3A_187 = tpu.memref_squeeze %dma_start3A_186 : memref<1x128xi32, #tpu.memory_space<vmem>> -> memref<128xi32, #tpu.memory_space<vmem>>
    %dma_start3A_188 = arith.constant 0 : i32
    %dma_start3A_189 = arith.constant 0 : i32
    %dma_start3A_190 = tpu.memref_slice %arg5[%dma_start3A_188, %dma_start3A_189] : memref<32768x128xf32, #tpu.memory_space<hbm>> -> memref<32768x128xf32, #tpu.memory_space<hbm>>
    tpu.enqueue_indirect_dma source(%dma_start3A_184 : memref<128x128xf32, #tpu.memory_space<vmem>>) target(%dma_start3A_190 : memref<32768x128xf32, #tpu.memory_space<hbm>>) offsets(%dma_start3A_187 : memref<128xi32, #tpu.memory_space<vmem>>) semaphore(%arg18 : memref<!tpu.dma_semaphore, #tpu.memory_space<semaphore_mem>>)
    %dma_wait3A_191 = arith.constant 0 : i32
    %dma_wait3A_192 = arith.constant 0 : i32
    %dma_wait3A_193 = arith.constant 0 : i32
    %dma_wait3A_194 = arith.constant 0 : i32
    %dma_wait3A_195 = tpu.memref_slice %arg8[%dma_wait3A_191, %dma_wait3A_193, %dma_wait3A_194] : memref<6x128x128xf32, #tpu.memory_space<vmem>> -> memref<1x128x128xf32, #tpu.memory_space<vmem>>
    %dma_wait3A_196 = tpu.memref_squeeze %dma_wait3A_195 : memref<1x128x128xf32, #tpu.memory_space<vmem>> -> memref<128x128xf32, #tpu.memory_space<vmem>>
    %dma_wait3A_197 = arith.constant 0 : i32
    %dma_wait3A_198 = tpu.memref_slice %arg7[%dma_wait3A_192, %dma_wait3A_197] : memref<8x128xi32, #tpu.memory_space<vmem>> -> memref<1x128xi32, #tpu.memory_space<vmem>>
    %dma_wait3A_199 = tpu.memref_squeeze %dma_wait3A_198 : memref<1x128xi32, #tpu.memory_space<vmem>> -> memref<128xi32, #tpu.memory_space<vmem>>
    %dma_wait3A_200 = arith.constant 0 : i32
    %dma_wait3A_201 = arith.constant 0 : i32
    %dma_wait3A_202 = tpu.memref_slice %arg5[%dma_wait3A_200, %dma_wait3A_201] : memref<32768x128xf32, #tpu.memory_space<hbm>> -> memref<32768x128xf32, #tpu.memory_space<hbm>>
    tpu.wait_indirect_dma semaphore(%arg17 : memref<!tpu.dma_semaphore, #tpu.memory_space<semaphore_mem>>) src(%dma_wait3A_196 : memref<128x128xf32, #tpu.memory_space<vmem>>) dst(%dma_wait3A_202 : memref<32768x128xf32, #tpu.memory_space<hbm>>)
    %dma_start3A_203 = arith.constant 6 : i32
    %dma_start3A_204 = arith.constant 0 : i32
    %dma_start3A_205 = arith.constant 0 : i32
    %dma_start3A_206 = arith.constant 0 : i32
    %dma_start3A_207 = tpu.memref_slice %arg8[%dma_start3A_204, %dma_start3A_205, %dma_start3A_206] : memref<6x128x128xf32, #tpu.memory_space<vmem>> -> memref<1x128x128xf32, #tpu.memory_space<vmem>>
    %dma_start3A_208 = tpu.memref_squeeze %dma_start3A_207 : memref<1x128x128xf32, #tpu.memory_space<vmem>> -> memref<128x128xf32, #tpu.memory_space<vmem>>
    %dma_start3A_209 = arith.constant 0 : i32
    %dma_start3A_210 = tpu.memref_slice %arg6[%dma_start3A_203, %dma_start3A_209] : memref<8x128xi32, #tpu.memory_space<vmem>> -> memref<1x128xi32, #tpu.memory_space<vmem>>
    %dma_start3A_211 = tpu.memref_squeeze %dma_start3A_210 : memref<1x128xi32, #tpu.memory_space<vmem>> -> memref<128xi32, #tpu.memory_space<vmem>>
    %dma_start3A_212 = arith.constant 0 : i32
    %dma_start3A_213 = arith.constant 0 : i32
    %dma_start3A_214 = tpu.memref_slice %arg4[%dma_start3A_212, %dma_start3A_213] : memref<100000x128xf32, #tpu.memory_space<hbm>> -> memref<100000x128xf32, #tpu.memory_space<hbm>>
    tpu.enqueue_indirect_dma source(%dma_start3A_214 : memref<100000x128xf32, #tpu.memory_space<hbm>>) target(%dma_start3A_208 : memref<128x128xf32, #tpu.memory_space<vmem>>) offsets(%dma_start3A_211 : memref<128xi32, #tpu.memory_space<vmem>>) semaphore(%arg11 : memref<!tpu.dma_semaphore, #tpu.memory_space<semaphore_mem>>)
    %dma_wait3A_215 = arith.constant 2 : i32
    %dma_wait3A_216 = arith.constant 2 : i32
    %dma_wait3A_217 = arith.constant 0 : i32
    %dma_wait3A_218 = arith.constant 0 : i32
    %dma_wait3A_219 = tpu.memref_slice %arg8[%dma_wait3A_216, %dma_wait3A_217, %dma_wait3A_218] : memref<6x128x128xf32, #tpu.memory_space<vmem>> -> memref<1x128x128xf32, #tpu.memory_space<vmem>>
    %dma_wait3A_220 = tpu.memref_squeeze %dma_wait3A_219 : memref<1x128x128xf32, #tpu.memory_space<vmem>> -> memref<128x128xf32, #tpu.memory_space<vmem>>
    %dma_wait3A_221 = arith.constant 0 : i32
    %dma_wait3A_222 = tpu.memref_slice %arg6[%dma_wait3A_215, %dma_wait3A_221] : memref<8x128xi32, #tpu.memory_space<vmem>> -> memref<1x128xi32, #tpu.memory_space<vmem>>
    %dma_wait3A_223 = tpu.memref_squeeze %dma_wait3A_222 : memref<1x128xi32, #tpu.memory_space<vmem>> -> memref<128xi32, #tpu.memory_space<vmem>>
    %dma_wait3A_224 = arith.constant 0 : i32
    %dma_wait3A_225 = arith.constant 0 : i32
    %dma_wait3A_226 = tpu.memref_slice %arg4[%dma_wait3A_224, %dma_wait3A_225] : memref<100000x128xf32, #tpu.memory_space<hbm>> -> memref<100000x128xf32, #tpu.memory_space<hbm>>
    tpu.wait_indirect_dma semaphore(%arg13 : memref<!tpu.dma_semaphore, #tpu.memory_space<semaphore_mem>>) src(%dma_wait3A_226 : memref<100000x128xf32, #tpu.memory_space<hbm>>) dst(%dma_wait3A_220 : memref<128x128xf32, #tpu.memory_space<vmem>>)
    %dma_start3A_227 = arith.constant 2 : i32
    %dma_start3A_228 = arith.constant 2 : i32
    %dma_start3A_229 = arith.constant 0 : i32
    %dma_start3A_230 = arith.constant 0 : i32
    %dma_start3A_231 = tpu.memref_slice %arg8[%dma_start3A_227, %dma_start3A_229, %dma_start3A_230] : memref<6x128x128xf32, #tpu.memory_space<vmem>> -> memref<1x128x128xf32, #tpu.memory_space<vmem>>
    %dma_start3A_232 = tpu.memref_squeeze %dma_start3A_231 : memref<1x128x128xf32, #tpu.memory_space<vmem>> -> memref<128x128xf32, #tpu.memory_space<vmem>>
    %dma_start3A_233 = arith.constant 0 : i32
    %dma_start3A_234 = tpu.memref_slice %arg7[%dma_start3A_228, %dma_start3A_233] : memref<8x128xi32, #tpu.memory_space<vmem>> -> memref<1x128xi32, #tpu.memory_space<vmem>>
    %dma_start3A_235 = tpu.memref_squeeze %dma_start3A_234 : memref<1x128xi32, #tpu.memory_space<vmem>> -> memref<128xi32, #tpu.memory_space<vmem>>
    %dma_start3A_236 = arith.constant 0 : i32
    %dma_start3A_237 = arith.constant 0 : i32
    %dma_start3A_238 = tpu.memref_slice %arg5[%dma_start3A_236, %dma_start3A_237] : memref<32768x128xf32, #tpu.memory_space<hbm>> -> memref<32768x128xf32, #tpu.memory_space<hbm>>
    tpu.enqueue_indirect_dma source(%dma_start3A_232 : memref<128x128xf32, #tpu.memory_space<vmem>>) target(%dma_start3A_238 : memref<32768x128xf32, #tpu.memory_space<hbm>>) offsets(%dma_start3A_235 : memref<128xi32, #tpu.memory_space<vmem>>) semaphore(%arg19 : memref<!tpu.dma_semaphore, #tpu.memory_space<semaphore_mem>>)
    %dma_wait3A_239 = arith.constant 1 : i32
    %dma_wait3A_240 = arith.constant 1 : i32
    %dma_wait3A_241 = arith.constant 0 : i32
    %dma_wait3A_242 = arith.constant 0 : i32
    %dma_wait3A_243 = tpu.memref_slice %arg8[%dma_wait3A_239, %dma_wait3A_241, %dma_wait3A_242] : memref<6x128x128xf32, #tpu.memory_space<vmem>> -> memref<1x128x128xf32, #tpu.memory_space<vmem>>
    %dma_wait3A_244 = tpu.memref_squeeze %dma_wait3A_243 : memref<1x128x128xf32, #tpu.memory_space<vmem>> -> memref<128x128xf32, #tpu.memory_space<vmem>>
    %dma_wait3A_245 = arith.constant 0 : i32
    %dma_wait3A_246 = tpu.memref_slice %arg7[%dma_wait3A_240, %dma_wait3A_245] : memref<8x128xi32, #tpu.memory_space<vmem>> -> memref<1x128xi32, #tpu.memory_space<vmem>>
    %dma_wait3A_247 = tpu.memref_squeeze %dma_wait3A_246 : memref<1x128xi32, #tpu.memory_space<vmem>> -> memref<128xi32, #tpu.memory_space<vmem>>
    %dma_wait3A_248 = arith.constant 0 : i32
    %dma_wait3A_249 = arith.constant 0 : i32
    %dma_wait3A_250 = tpu.memref_slice %arg5[%dma_wait3A_248, %dma_wait3A_249] : memref<32768x128xf32, #tpu.memory_space<hbm>> -> memref<32768x128xf32, #tpu.memory_space<hbm>>
    tpu.wait_indirect_dma semaphore(%arg18 : memref<!tpu.dma_semaphore, #tpu.memory_space<semaphore_mem>>) src(%dma_wait3A_244 : memref<128x128xf32, #tpu.memory_space<vmem>>) dst(%dma_wait3A_250 : memref<32768x128xf32, #tpu.memory_space<hbm>>)
    %dma_start3A_251 = arith.constant 7 : i32
    %dma_start3A_252 = arith.constant 1 : i32
    %dma_start3A_253 = arith.constant 0 : i32
    %dma_start3A_254 = arith.constant 0 : i32
    %dma_start3A_255 = tpu.memref_slice %arg8[%dma_start3A_252, %dma_start3A_253, %dma_start3A_254] : memref<6x128x128xf32, #tpu.memory_space<vmem>> -> memref<1x128x128xf32, #tpu.memory_space<vmem>>
    %dma_start3A_256 = tpu.memref_squeeze %dma_start3A_255 : memref<1x128x128xf32, #tpu.memory_space<vmem>> -> memref<128x128xf32, #tpu.memory_space<vmem>>
    %dma_start3A_257 = arith.constant 0 : i32
    %dma_start3A_258 = tpu.memref_slice %arg6[%dma_start3A_251, %dma_start3A_257] : memref<8x128xi32, #tpu.memory_space<vmem>> -> memref<1x128xi32, #tpu.memory_space<vmem>>
    %dma_start3A_259 = tpu.memref_squeeze %dma_start3A_258 : memref<1x128xi32, #tpu.memory_space<vmem>> -> memref<128xi32, #tpu.memory_space<vmem>>
    %dma_start3A_260 = arith.constant 0 : i32
    %dma_start3A_261 = arith.constant 0 : i32
    %dma_start3A_262 = tpu.memref_slice %arg4[%dma_start3A_260, %dma_start3A_261] : memref<100000x128xf32, #tpu.memory_space<hbm>> -> memref<100000x128xf32, #tpu.memory_space<hbm>>
    tpu.enqueue_indirect_dma source(%dma_start3A_262 : memref<100000x128xf32, #tpu.memory_space<hbm>>) target(%dma_start3A_256 : memref<128x128xf32, #tpu.memory_space<vmem>>) offsets(%dma_start3A_259 : memref<128xi32, #tpu.memory_space<vmem>>) semaphore(%arg12 : memref<!tpu.dma_semaphore, #tpu.memory_space<semaphore_mem>>)
    %dma_wait3A_263 = arith.constant 3 : i32
    %dma_wait3A_264 = arith.constant 3 : i32
    %dma_wait3A_265 = arith.constant 0 : i32
    %dma_wait3A_266 = arith.constant 0 : i32
    %dma_wait3A_267 = tpu.memref_slice %arg8[%dma_wait3A_264, %dma_wait3A_265, %dma_wait3A_266] : memref<6x128x128xf32, #tpu.memory_space<vmem>> -> memref<1x128x128xf32, #tpu.memory_space<vmem>>
    %dma_wait3A_268 = tpu.memref_squeeze %dma_wait3A_267 : memref<1x128x128xf32, #tpu.memory_space<vmem>> -> memref<128x128xf32, #tpu.memory_space<vmem>>
    %dma_wait3A_269 = arith.constant 0 : i32
    %dma_wait3A_270 = tpu.memref_slice %arg6[%dma_wait3A_263, %dma_wait3A_269] : memref<8x128xi32, #tpu.memory_space<vmem>> -> memref<1x128xi32, #tpu.memory_space<vmem>>
    %dma_wait3A_271 = tpu.memref_squeeze %dma_wait3A_270 : memref<1x128xi32, #tpu.memory_space<vmem>> -> memref<128xi32, #tpu.memory_space<vmem>>
    %dma_wait3A_272 = arith.constant 0 : i32
    %dma_wait3A_273 = arith.constant 0 : i32
    %dma_wait3A_274 = tpu.memref_slice %arg4[%dma_wait3A_272, %dma_wait3A_273] : memref<100000x128xf32, #tpu.memory_space<hbm>> -> memref<100000x128xf32, #tpu.memory_space<hbm>>
    tpu.wait_indirect_dma semaphore(%arg14 : memref<!tpu.dma_semaphore, #tpu.memory_space<semaphore_mem>>) src(%dma_wait3A_274 : memref<100000x128xf32, #tpu.memory_space<hbm>>) dst(%dma_wait3A_268 : memref<128x128xf32, #tpu.memory_space<vmem>>)
    %dma_start3A_275 = arith.constant 3 : i32
    %dma_start3A_276 = arith.constant 3 : i32
    %dma_start3A_277 = arith.constant 0 : i32
    %dma_start3A_278 = arith.constant 0 : i32
    %dma_start3A_279 = tpu.memref_slice %arg8[%dma_start3A_275, %dma_start3A_277, %dma_start3A_278] : memref<6x128x128xf32, #tpu.memory_space<vmem>> -> memref<1x128x128xf32, #tpu.memory_space<vmem>>
    %dma_start3A_280 = tpu.memref_squeeze %dma_start3A_279 : memref<1x128x128xf32, #tpu.memory_space<vmem>> -> memref<128x128xf32, #tpu.memory_space<vmem>>
    %dma_start3A_281 = arith.constant 0 : i32
    %dma_start3A_282 = tpu.memref_slice %arg7[%dma_start3A_276, %dma_start3A_281] : memref<8x128xi32, #tpu.memory_space<vmem>> -> memref<1x128xi32, #tpu.memory_space<vmem>>
    %dma_start3A_283 = tpu.memref_squeeze %dma_start3A_282 : memref<1x128xi32, #tpu.memory_space<vmem>> -> memref<128xi32, #tpu.memory_space<vmem>>
    %dma_start3A_284 = arith.constant 0 : i32
    %dma_start3A_285 = arith.constant 0 : i32
    %dma_start3A_286 = tpu.memref_slice %arg5[%dma_start3A_284, %dma_start3A_285] : memref<32768x128xf32, #tpu.memory_space<hbm>> -> memref<32768x128xf32, #tpu.memory_space<hbm>>
    tpu.enqueue_indirect_dma source(%dma_start3A_280 : memref<128x128xf32, #tpu.memory_space<vmem>>) target(%dma_start3A_286 : memref<32768x128xf32, #tpu.memory_space<hbm>>) offsets(%dma_start3A_283 : memref<128xi32, #tpu.memory_space<vmem>>) semaphore(%arg20 : memref<!tpu.dma_semaphore, #tpu.memory_space<semaphore_mem>>)
    %dma_wait3A_287 = arith.constant 4 : i32
    %dma_wait3A_288 = arith.constant 4 : i32
    %dma_wait3A_289 = arith.constant 0 : i32
    %dma_wait3A_290 = arith.constant 0 : i32
    %dma_wait3A_291 = tpu.memref_slice %arg8[%dma_wait3A_288, %dma_wait3A_289, %dma_wait3A_290] : memref<6x128x128xf32, #tpu.memory_space<vmem>> -> memref<1x128x128xf32, #tpu.memory_space<vmem>>
    %dma_wait3A_292 = tpu.memref_squeeze %dma_wait3A_291 : memref<1x128x128xf32, #tpu.memory_space<vmem>> -> memref<128x128xf32, #tpu.memory_space<vmem>>
    %dma_wait3A_293 = arith.constant 0 : i32
    %dma_wait3A_294 = tpu.memref_slice %arg6[%dma_wait3A_287, %dma_wait3A_293] : memref<8x128xi32, #tpu.memory_space<vmem>> -> memref<1x128xi32, #tpu.memory_space<vmem>>
    %dma_wait3A_295 = tpu.memref_squeeze %dma_wait3A_294 : memref<1x128xi32, #tpu.memory_space<vmem>> -> memref<128xi32, #tpu.memory_space<vmem>>
    %dma_wait3A_296 = arith.constant 0 : i32
    %dma_wait3A_297 = arith.constant 0 : i32
    %dma_wait3A_298 = tpu.memref_slice %arg4[%dma_wait3A_296, %dma_wait3A_297] : memref<100000x128xf32, #tpu.memory_space<hbm>> -> memref<100000x128xf32, #tpu.memory_space<hbm>>
    tpu.wait_indirect_dma semaphore(%arg15 : memref<!tpu.dma_semaphore, #tpu.memory_space<semaphore_mem>>) src(%dma_wait3A_298 : memref<100000x128xf32, #tpu.memory_space<hbm>>) dst(%dma_wait3A_292 : memref<128x128xf32, #tpu.memory_space<vmem>>)
    %dma_start3A_299 = arith.constant 4 : i32
    %dma_start3A_300 = arith.constant 4 : i32
    %dma_start3A_301 = arith.constant 0 : i32
    %dma_start3A_302 = arith.constant 0 : i32
    %dma_start3A_303 = tpu.memref_slice %arg8[%dma_start3A_299, %dma_start3A_301, %dma_start3A_302] : memref<6x128x128xf32, #tpu.memory_space<vmem>> -> memref<1x128x128xf32, #tpu.memory_space<vmem>>
    %dma_start3A_304 = tpu.memref_squeeze %dma_start3A_303 : memref<1x128x128xf32, #tpu.memory_space<vmem>> -> memref<128x128xf32, #tpu.memory_space<vmem>>
    %dma_start3A_305 = arith.constant 0 : i32
    %dma_start3A_306 = tpu.memref_slice %arg7[%dma_start3A_300, %dma_start3A_305] : memref<8x128xi32, #tpu.memory_space<vmem>> -> memref<1x128xi32, #tpu.memory_space<vmem>>
    %dma_start3A_307 = tpu.memref_squeeze %dma_start3A_306 : memref<1x128xi32, #tpu.memory_space<vmem>> -> memref<128xi32, #tpu.memory_space<vmem>>
    %dma_start3A_308 = arith.constant 0 : i32
    %dma_start3A_309 = arith.constant 0 : i32
    %dma_start3A_310 = tpu.memref_slice %arg5[%dma_start3A_308, %dma_start3A_309] : memref<32768x128xf32, #tpu.memory_space<hbm>> -> memref<32768x128xf32, #tpu.memory_space<hbm>>
    tpu.enqueue_indirect_dma source(%dma_start3A_304 : memref<128x128xf32, #tpu.memory_space<vmem>>) target(%dma_start3A_310 : memref<32768x128xf32, #tpu.memory_space<hbm>>) offsets(%dma_start3A_307 : memref<128xi32, #tpu.memory_space<vmem>>) semaphore(%arg21 : memref<!tpu.dma_semaphore, #tpu.memory_space<semaphore_mem>>)
    %dma_wait3A_311 = arith.constant 5 : i32
    %dma_wait3A_312 = arith.constant 5 : i32
    %dma_wait3A_313 = arith.constant 0 : i32
    %dma_wait3A_314 = arith.constant 0 : i32
    %dma_wait3A_315 = tpu.memref_slice %arg8[%dma_wait3A_312, %dma_wait3A_313, %dma_wait3A_314] : memref<6x128x128xf32, #tpu.memory_space<vmem>> -> memref<1x128x128xf32, #tpu.memory_space<vmem>>
    %dma_wait3A_316 = tpu.memref_squeeze %dma_wait3A_315 : memref<1x128x128xf32, #tpu.memory_space<vmem>> -> memref<128x128xf32, #tpu.memory_space<vmem>>
    %dma_wait3A_317 = arith.constant 0 : i32
    %dma_wait3A_318 = tpu.memref_slice %arg6[%dma_wait3A_311, %dma_wait3A_317] : memref<8x128xi32, #tpu.memory_space<vmem>> -> memref<1x128xi32, #tpu.memory_space<vmem>>
    %dma_wait3A_319 = tpu.memref_squeeze %dma_wait3A_318 : memref<1x128xi32, #tpu.memory_space<vmem>> -> memref<128xi32, #tpu.memory_space<vmem>>
    %dma_wait3A_320 = arith.constant 0 : i32
    %dma_wait3A_321 = arith.constant 0 : i32
    %dma_wait3A_322 = tpu.memref_slice %arg4[%dma_wait3A_320, %dma_wait3A_321] : memref<100000x128xf32, #tpu.memory_space<hbm>> -> memref<100000x128xf32, #tpu.memory_space<hbm>>
    tpu.wait_indirect_dma semaphore(%arg16 : memref<!tpu.dma_semaphore, #tpu.memory_space<semaphore_mem>>) src(%dma_wait3A_322 : memref<100000x128xf32, #tpu.memory_space<hbm>>) dst(%dma_wait3A_316 : memref<128x128xf32, #tpu.memory_space<vmem>>)
    %dma_start3A_323 = arith.constant 5 : i32
    %dma_start3A_324 = arith.constant 5 : i32
    %dma_start3A_325 = arith.constant 0 : i32
    %dma_start3A_326 = arith.constant 0 : i32
    %dma_start3A_327 = tpu.memref_slice %arg8[%dma_start3A_323, %dma_start3A_325, %dma_start3A_326] : memref<6x128x128xf32, #tpu.memory_space<vmem>> -> memref<1x128x128xf32, #tpu.memory_space<vmem>>
    %dma_start3A_328 = tpu.memref_squeeze %dma_start3A_327 : memref<1x128x128xf32, #tpu.memory_space<vmem>> -> memref<128x128xf32, #tpu.memory_space<vmem>>
    %dma_start3A_329 = arith.constant 0 : i32
    %dma_start3A_330 = tpu.memref_slice %arg7[%dma_start3A_324, %dma_start3A_329] : memref<8x128xi32, #tpu.memory_space<vmem>> -> memref<1x128xi32, #tpu.memory_space<vmem>>
    %dma_start3A_331 = tpu.memref_squeeze %dma_start3A_330 : memref<1x128xi32, #tpu.memory_space<vmem>> -> memref<128xi32, #tpu.memory_space<vmem>>
    %dma_start3A_332 = arith.constant 0 : i32
    %dma_start3A_333 = arith.constant 0 : i32
    %dma_start3A_334 = tpu.memref_slice %arg5[%dma_start3A_332, %dma_start3A_333] : memref<32768x128xf32, #tpu.memory_space<hbm>> -> memref<32768x128xf32, #tpu.memory_space<hbm>>
    tpu.enqueue_indirect_dma source(%dma_start3A_328 : memref<128x128xf32, #tpu.memory_space<vmem>>) target(%dma_start3A_334 : memref<32768x128xf32, #tpu.memory_space<hbm>>) offsets(%dma_start3A_331 : memref<128xi32, #tpu.memory_space<vmem>>) semaphore(%arg22 : memref<!tpu.dma_semaphore, #tpu.memory_space<semaphore_mem>>)
    %dma_wait3A_335 = arith.constant 6 : i32
    %dma_wait3A_336 = arith.constant 0 : i32
    %dma_wait3A_337 = arith.constant 0 : i32
    %dma_wait3A_338 = arith.constant 0 : i32
    %dma_wait3A_339 = tpu.memref_slice %arg8[%dma_wait3A_336, %dma_wait3A_337, %dma_wait3A_338] : memref<6x128x128xf32, #tpu.memory_space<vmem>> -> memref<1x128x128xf32, #tpu.memory_space<vmem>>
    %dma_wait3A_340 = tpu.memref_squeeze %dma_wait3A_339 : memref<1x128x128xf32, #tpu.memory_space<vmem>> -> memref<128x128xf32, #tpu.memory_space<vmem>>
    %dma_wait3A_341 = arith.constant 0 : i32
    %dma_wait3A_342 = tpu.memref_slice %arg6[%dma_wait3A_335, %dma_wait3A_341] : memref<8x128xi32, #tpu.memory_space<vmem>> -> memref<1x128xi32, #tpu.memory_space<vmem>>
    %dma_wait3A_343 = tpu.memref_squeeze %dma_wait3A_342 : memref<1x128xi32, #tpu.memory_space<vmem>> -> memref<128xi32, #tpu.memory_space<vmem>>
    %dma_wait3A_344 = arith.constant 0 : i32
    %dma_wait3A_345 = arith.constant 0 : i32
    %dma_wait3A_346 = tpu.memref_slice %arg4[%dma_wait3A_344, %dma_wait3A_345] : memref<100000x128xf32, #tpu.memory_space<hbm>> -> memref<100000x128xf32, #tpu.memory_space<hbm>>
    tpu.wait_indirect_dma semaphore(%arg11 : memref<!tpu.dma_semaphore, #tpu.memory_space<semaphore_mem>>) src(%dma_wait3A_346 : memref<100000x128xf32, #tpu.memory_space<hbm>>) dst(%dma_wait3A_340 : memref<128x128xf32, #tpu.memory_space<vmem>>)
    %dma_start3A_347 = arith.constant 0 : i32
    %dma_start3A_348 = arith.constant 6 : i32
    %dma_start3A_349 = arith.constant 0 : i32
    %dma_start3A_350 = arith.constant 0 : i32
    %dma_start3A_351 = tpu.memref_slice %arg8[%dma_start3A_347, %dma_start3A_349, %dma_start3A_350] : memref<6x128x128xf32, #tpu.memory_space<vmem>> -> memref<1x128x128xf32, #tpu.memory_space<vmem>>
    %dma_start3A_352 = tpu.memref_squeeze %dma_start3A_351 : memref<1x128x128xf32, #tpu.memory_space<vmem>> -> memref<128x128xf32, #tpu.memory_space<vmem>>
    %dma_start3A_353 = arith.constant 0 : i32
    %dma_start3A_354 = tpu.memref_slice %arg7[%dma_start3A_348, %dma_start3A_353] : memref<8x128xi32, #tpu.memory_space<vmem>> -> memref<1x128xi32, #tpu.memory_space<vmem>>
    %dma_start3A_355 = tpu.memref_squeeze %dma_start3A_354 : memref<1x128xi32, #tpu.memory_space<vmem>> -> memref<128xi32, #tpu.memory_space<vmem>>
    %dma_start3A_356 = arith.constant 0 : i32
    %dma_start3A_357 = arith.constant 0 : i32
    %dma_start3A_358 = tpu.memref_slice %arg5[%dma_start3A_356, %dma_start3A_357] : memref<32768x128xf32, #tpu.memory_space<hbm>> -> memref<32768x128xf32, #tpu.memory_space<hbm>>
    tpu.enqueue_indirect_dma source(%dma_start3A_352 : memref<128x128xf32, #tpu.memory_space<vmem>>) target(%dma_start3A_358 : memref<32768x128xf32, #tpu.memory_space<hbm>>) offsets(%dma_start3A_355 : memref<128xi32, #tpu.memory_space<vmem>>) semaphore(%arg17 : memref<!tpu.dma_semaphore, #tpu.memory_space<semaphore_mem>>)
    %dma_wait3A_359 = arith.constant 7 : i32
    %dma_wait3A_360 = arith.constant 1 : i32
    %dma_wait3A_361 = arith.constant 0 : i32
    %dma_wait3A_362 = arith.constant 0 : i32
    %dma_wait3A_363 = tpu.memref_slice %arg8[%dma_wait3A_360, %dma_wait3A_361, %dma_wait3A_362] : memref<6x128x128xf32, #tpu.memory_space<vmem>> -> memref<1x128x128xf32, #tpu.memory_space<vmem>>
    %dma_wait3A_364 = tpu.memref_squeeze %dma_wait3A_363 : memref<1x128x128xf32, #tpu.memory_space<vmem>> -> memref<128x128xf32, #tpu.memory_space<vmem>>
    %dma_wait3A_365 = arith.constant 0 : i32
    %dma_wait3A_366 = tpu.memref_slice %arg6[%dma_wait3A_359, %dma_wait3A_365] : memref<8x128xi32, #tpu.memory_space<vmem>> -> memref<1x128xi32, #tpu.memory_space<vmem>>
    %dma_wait3A_367 = tpu.memref_squeeze %dma_wait3A_366 : memref<1x128xi32, #tpu.memory_space<vmem>> -> memref<128xi32, #tpu.memory_space<vmem>>
    %dma_wait3A_368 = arith.constant 0 : i32
    %dma_wait3A_369 = arith.constant 0 : i32
    %dma_wait3A_370 = tpu.memref_slice %arg4[%dma_wait3A_368, %dma_wait3A_369] : memref<100000x128xf32, #tpu.memory_space<hbm>> -> memref<100000x128xf32, #tpu.memory_space<hbm>>
    tpu.wait_indirect_dma semaphore(%arg12 : memref<!tpu.dma_semaphore, #tpu.memory_space<semaphore_mem>>) src(%dma_wait3A_370 : memref<100000x128xf32, #tpu.memory_space<hbm>>) dst(%dma_wait3A_364 : memref<128x128xf32, #tpu.memory_space<vmem>>)
    %dma_start3A_371 = arith.constant 1 : i32
    %dma_start3A_372 = arith.constant 7 : i32
    %dma_start3A_373 = arith.constant 0 : i32
    %dma_start3A_374 = arith.constant 0 : i32
    %dma_start3A_375 = tpu.memref_slice %arg8[%dma_start3A_371, %dma_start3A_373, %dma_start3A_374] : memref<6x128x128xf32, #tpu.memory_space<vmem>> -> memref<1x128x128xf32, #tpu.memory_space<vmem>>
    %dma_start3A_376 = tpu.memref_squeeze %dma_start3A_375 : memref<1x128x128xf32, #tpu.memory_space<vmem>> -> memref<128x128xf32, #tpu.memory_space<vmem>>
    %dma_start3A_377 = arith.constant 0 : i32
    %dma_start3A_378 = tpu.memref_slice %arg7[%dma_start3A_372, %dma_start3A_377] : memref<8x128xi32, #tpu.memory_space<vmem>> -> memref<1x128xi32, #tpu.memory_space<vmem>>
    %dma_start3A_379 = tpu.memref_squeeze %dma_start3A_378 : memref<1x128xi32, #tpu.memory_space<vmem>> -> memref<128xi32, #tpu.memory_space<vmem>>
    %dma_start3A_380 = arith.constant 0 : i32
    %dma_start3A_381 = arith.constant 0 : i32
    %dma_start3A_382 = tpu.memref_slice %arg5[%dma_start3A_380, %dma_start3A_381] : memref<32768x128xf32, #tpu.memory_space<hbm>> -> memref<32768x128xf32, #tpu.memory_space<hbm>>
    tpu.enqueue_indirect_dma source(%dma_start3A_376 : memref<128x128xf32, #tpu.memory_space<vmem>>) target(%dma_start3A_382 : memref<32768x128xf32, #tpu.memory_space<hbm>>) offsets(%dma_start3A_379 : memref<128xi32, #tpu.memory_space<vmem>>) semaphore(%arg18 : memref<!tpu.dma_semaphore, #tpu.memory_space<semaphore_mem>>)
    %dma_wait3A_383 = arith.constant 2 : i32
    %dma_wait3A_384 = arith.constant 2 : i32
    %dma_wait3A_385 = arith.constant 0 : i32
    %dma_wait3A_386 = arith.constant 0 : i32
    %dma_wait3A_387 = tpu.memref_slice %arg8[%dma_wait3A_383, %dma_wait3A_385, %dma_wait3A_386] : memref<6x128x128xf32, #tpu.memory_space<vmem>> -> memref<1x128x128xf32, #tpu.memory_space<vmem>>
    %dma_wait3A_388 = tpu.memref_squeeze %dma_wait3A_387 : memref<1x128x128xf32, #tpu.memory_space<vmem>> -> memref<128x128xf32, #tpu.memory_space<vmem>>
    %dma_wait3A_389 = arith.constant 0 : i32
    %dma_wait3A_390 = tpu.memref_slice %arg7[%dma_wait3A_384, %dma_wait3A_389] : memref<8x128xi32, #tpu.memory_space<vmem>> -> memref<1x128xi32, #tpu.memory_space<vmem>>
    %dma_wait3A_391 = tpu.memref_squeeze %dma_wait3A_390 : memref<1x128xi32, #tpu.memory_space<vmem>> -> memref<128xi32, #tpu.memory_space<vmem>>
    %dma_wait3A_392 = arith.constant 0 : i32
    %dma_wait3A_393 = arith.constant 0 : i32
    %dma_wait3A_394 = tpu.memref_slice %arg5[%dma_wait3A_392, %dma_wait3A_393] : memref<32768x128xf32, #tpu.memory_space<hbm>> -> memref<32768x128xf32, #tpu.memory_space<hbm>>
    tpu.wait_indirect_dma semaphore(%arg19 : memref<!tpu.dma_semaphore, #tpu.memory_space<semaphore_mem>>) src(%dma_wait3A_388 : memref<128x128xf32, #tpu.memory_space<vmem>>) dst(%dma_wait3A_394 : memref<32768x128xf32, #tpu.memory_space<hbm>>)
    %dma_wait3A_395 = arith.constant 3 : i32
    %dma_wait3A_396 = arith.constant 3 : i32
    %dma_wait3A_397 = arith.constant 0 : i32
    %dma_wait3A_398 = arith.constant 0 : i32
    %dma_wait3A_399 = tpu.memref_slice %arg8[%dma_wait3A_395, %dma_wait3A_397, %dma_wait3A_398] : memref<6x128x128xf32, #tpu.memory_space<vmem>> -> memref<1x128x128xf32, #tpu.memory_space<vmem>>
    %dma_wait3A_400 = tpu.memref_squeeze %dma_wait3A_399 : memref<1x128x128xf32, #tpu.memory_space<vmem>> -> memref<128x128xf32, #tpu.memory_space<vmem>>
    %dma_wait3A_401 = arith.constant 0 : i32
    %dma_wait3A_402 = tpu.memref_slice %arg7[%dma_wait3A_396, %dma_wait3A_401] : memref<8x128xi32, #tpu.memory_space<vmem>> -> memref<1x128xi32, #tpu.memory_space<vmem>>
    %dma_wait3A_403 = tpu.memref_squeeze %dma_wait3A_402 : memref<1x128xi32, #tpu.memory_space<vmem>> -> memref<128xi32, #tpu.memory_space<vmem>>
    %dma_wait3A_404 = arith.constant 0 : i32
    %dma_wait3A_405 = arith.constant 0 : i32
    %dma_wait3A_406 = tpu.memref_slice %arg5[%dma_wait3A_404, %dma_wait3A_405] : memref<32768x128xf32, #tpu.memory_space<hbm>> -> memref<32768x128xf32, #tpu.memory_space<hbm>>
    tpu.wait_indirect_dma semaphore(%arg20 : memref<!tpu.dma_semaphore, #tpu.memory_space<semaphore_mem>>) src(%dma_wait3A_400 : memref<128x128xf32, #tpu.memory_space<vmem>>) dst(%dma_wait3A_406 : memref<32768x128xf32, #tpu.memory_space<hbm>>)
    %dma_wait3A_407 = arith.constant 4 : i32
    %dma_wait3A_408 = arith.constant 4 : i32
    %dma_wait3A_409 = arith.constant 0 : i32
    %dma_wait3A_410 = arith.constant 0 : i32
    %dma_wait3A_411 = tpu.memref_slice %arg8[%dma_wait3A_407, %dma_wait3A_409, %dma_wait3A_410] : memref<6x128x128xf32, #tpu.memory_space<vmem>> -> memref<1x128x128xf32, #tpu.memory_space<vmem>>
    %dma_wait3A_412 = tpu.memref_squeeze %dma_wait3A_411 : memref<1x128x128xf32, #tpu.memory_space<vmem>> -> memref<128x128xf32, #tpu.memory_space<vmem>>
    %dma_wait3A_413 = arith.constant 0 : i32
    %dma_wait3A_414 = tpu.memref_slice %arg7[%dma_wait3A_408, %dma_wait3A_413] : memref<8x128xi32, #tpu.memory_space<vmem>> -> memref<1x128xi32, #tpu.memory_space<vmem>>
    %dma_wait3A_415 = tpu.memref_squeeze %dma_wait3A_414 : memref<1x128xi32, #tpu.memory_space<vmem>> -> memref<128xi32, #tpu.memory_space<vmem>>
    %dma_wait3A_416 = arith.constant 0 : i32
    %dma_wait3A_417 = arith.constant 0 : i32
    %dma_wait3A_418 = tpu.memref_slice %arg5[%dma_wait3A_416, %dma_wait3A_417] : memref<32768x128xf32, #tpu.memory_space<hbm>> -> memref<32768x128xf32, #tpu.memory_space<hbm>>
    tpu.wait_indirect_dma semaphore(%arg21 : memref<!tpu.dma_semaphore, #tpu.memory_space<semaphore_mem>>) src(%dma_wait3A_412 : memref<128x128xf32, #tpu.memory_space<vmem>>) dst(%dma_wait3A_418 : memref<32768x128xf32, #tpu.memory_space<hbm>>)
    %dma_wait3A_419 = arith.constant 5 : i32
    %dma_wait3A_420 = arith.constant 5 : i32
    %dma_wait3A_421 = arith.constant 0 : i32
    %dma_wait3A_422 = arith.constant 0 : i32
    %dma_wait3A_423 = tpu.memref_slice %arg8[%dma_wait3A_419, %dma_wait3A_421, %dma_wait3A_422] : memref<6x128x128xf32, #tpu.memory_space<vmem>> -> memref<1x128x128xf32, #tpu.memory_space<vmem>>
    %dma_wait3A_424 = tpu.memref_squeeze %dma_wait3A_423 : memref<1x128x128xf32, #tpu.memory_space<vmem>> -> memref<128x128xf32, #tpu.memory_space<vmem>>
    %dma_wait3A_425 = arith.constant 0 : i32
    %dma_wait3A_426 = tpu.memref_slice %arg7[%dma_wait3A_420, %dma_wait3A_425] : memref<8x128xi32, #tpu.memory_space<vmem>> -> memref<1x128xi32, #tpu.memory_space<vmem>>
    %dma_wait3A_427 = tpu.memref_squeeze %dma_wait3A_426 : memref<1x128xi32, #tpu.memory_space<vmem>> -> memref<128xi32, #tpu.memory_space<vmem>>
    %dma_wait3A_428 = arith.constant 0 : i32
    %dma_wait3A_429 = arith.constant 0 : i32
    %dma_wait3A_430 = tpu.memref_slice %arg5[%dma_wait3A_428, %dma_wait3A_429] : memref<32768x128xf32, #tpu.memory_space<hbm>> -> memref<32768x128xf32, #tpu.memory_space<hbm>>
    tpu.wait_indirect_dma semaphore(%arg22 : memref<!tpu.dma_semaphore, #tpu.memory_space<semaphore_mem>>) src(%dma_wait3A_424 : memref<128x128xf32, #tpu.memory_space<vmem>>) dst(%dma_wait3A_430 : memref<32768x128xf32, #tpu.memory_space<hbm>>)
    %dma_wait3A_431 = arith.constant 0 : i32
    %dma_wait3A_432 = arith.constant 6 : i32
    %dma_wait3A_433 = arith.constant 0 : i32
    %dma_wait3A_434 = arith.constant 0 : i32
    %dma_wait3A_435 = tpu.memref_slice %arg8[%dma_wait3A_431, %dma_wait3A_433, %dma_wait3A_434] : memref<6x128x128xf32, #tpu.memory_space<vmem>> -> memref<1x128x128xf32, #tpu.memory_space<vmem>>
    %dma_wait3A_436 = tpu.memref_squeeze %dma_wait3A_435 : memref<1x128x128xf32, #tpu.memory_space<vmem>> -> memref<128x128xf32, #tpu.memory_space<vmem>>
    %dma_wait3A_437 = arith.constant 0 : i32
    %dma_wait3A_438 = tpu.memref_slice %arg7[%dma_wait3A_432, %dma_wait3A_437] : memref<8x128xi32, #tpu.memory_space<vmem>> -> memref<1x128xi32, #tpu.memory_space<vmem>>
    %dma_wait3A_439 = tpu.memref_squeeze %dma_wait3A_438 : memref<1x128xi32, #tpu.memory_space<vmem>> -> memref<128xi32, #tpu.memory_space<vmem>>
    %dma_wait3A_440 = arith.constant 0 : i32
    %dma_wait3A_441 = arith.constant 0 : i32
    %dma_wait3A_442 = tpu.memref_slice %arg5[%dma_wait3A_440, %dma_wait3A_441] : memref<32768x128xf32, #tpu.memory_space<hbm>> -> memref<32768x128xf32, #tpu.memory_space<hbm>>
    tpu.wait_indirect_dma semaphore(%arg17 : memref<!tpu.dma_semaphore, #tpu.memory_space<semaphore_mem>>) src(%dma_wait3A_436 : memref<128x128xf32, #tpu.memory_space<vmem>>) dst(%dma_wait3A_442 : memref<32768x128xf32, #tpu.memory_space<hbm>>)
    %dma_wait3A_443 = arith.constant 1 : i32
    %dma_wait3A_444 = arith.constant 7 : i32
    %dma_wait3A_445 = arith.constant 0 : i32
    %dma_wait3A_446 = arith.constant 0 : i32
    %dma_wait3A_447 = tpu.memref_slice %arg8[%dma_wait3A_443, %dma_wait3A_445, %dma_wait3A_446] : memref<6x128x128xf32, #tpu.memory_space<vmem>> -> memref<1x128x128xf32, #tpu.memory_space<vmem>>
    %dma_wait3A_448 = tpu.memref_squeeze %dma_wait3A_447 : memref<1x128x128xf32, #tpu.memory_space<vmem>> -> memref<128x128xf32, #tpu.memory_space<vmem>>
    %dma_wait3A_449 = arith.constant 0 : i32
    %dma_wait3A_450 = tpu.memref_slice %arg7[%dma_wait3A_444, %dma_wait3A_449] : memref<8x128xi32, #tpu.memory_space<vmem>> -> memref<1x128xi32, #tpu.memory_space<vmem>>
    %dma_wait3A_451 = tpu.memref_squeeze %dma_wait3A_450 : memref<1x128xi32, #tpu.memory_space<vmem>> -> memref<128xi32, #tpu.memory_space<vmem>>
    %dma_wait3A_452 = arith.constant 0 : i32
    %dma_wait3A_453 = arith.constant 0 : i32
    %dma_wait3A_454 = tpu.memref_slice %arg5[%dma_wait3A_452, %dma_wait3A_453] : memref<32768x128xf32, #tpu.memory_space<hbm>> -> memref<32768x128xf32, #tpu.memory_space<hbm>>
    tpu.wait_indirect_dma semaphore(%arg18 : memref<!tpu.dma_semaphore, #tpu.memory_space<semaphore_mem>>) src(%dma_wait3A_448 : memref<128x128xf32, #tpu.memory_space<vmem>>) dst(%dma_wait3A_454 : memref<32768x128xf32, #tpu.memory_space<hbm>>)
    return
  }
}

module attributes {stable_mosaic.version = 14 : i64} {
  func.func @_tc_body(%arg0: i32, %arg1: memref<4x2048x128xf32, #tpu.memory_space<vmem>>, %arg2: memref<128x128xf32, #tpu.memory_space<vmem>>, %arg3: memref<1x128xf32, #tpu.memory_space<vmem>>, %arg4: memref<4x1x128xf32, #tpu.memory_space<vmem>>) attributes {dimension_semantics = [#tpu.dimension_semantics<arbitrary>], iteration_bounds = array<i64: 4>, scalar_prefetch = 0 : i64, scratch_operands = 0 : i64, tpu.core_type = #tpu.core_type<tc>, window_params = [{transform_indices = @transform_0, window_bounds = array<i64: 4, 2048, 128>}, {pipeline_mode = #tpu.pipeline_mode<synchronous>, transform_indices = @transform_1, window_bounds = array<i64: 128, 128>}, {pipeline_mode = #tpu.pipeline_mode<synchronous>, transform_indices = @transform_2, window_bounds = array<i64: 1, 128>}, {transform_indices = @transform_3, window_bounds = array<i64: 4, 1, 128>}]} {
    %get3A = arith.constant 0 : index
    %get3A_0 = arith.constant 0 : index
    %get3A_1 = vector.load %arg2[%get3A, %get3A_0] : memref<128x128xf32, #tpu.memory_space<vmem>>, vector<128x128xf32>
    %convert_element_type3A = arith.truncf %get3A_1 : vector<128x128xf32> to vector<128x128xbf16>
    %get3A_2 = arith.constant 0 : index
    %get3A_3 = arith.constant 0 : index
    %get3A_4 = vector.load %arg3[%get3A_2, %get3A_3] : memref<1x128xf32, #tpu.memory_space<vmem>>, vector<1x128xf32>
    %broadcast_in_dim3A = arith.constant 0xFF800000 : f32
    %broadcast_in_dim3A_5 = vector.broadcast %broadcast_in_dim3A : f32 to vector<8x128xf32>
    %get3A_6 = arith.constant 0 : index
    %get3A_7 = arith.constant 1024 : index
    %get3A_8 = arith.constant 0 : index
    %get3A_9 = vector.load %arg1[%get3A_6, %get3A_7, %get3A_8] : memref<4x2048x128xf32, #tpu.memory_space<vmem>>, vector<1x1024x128xf32>
    %get3A_10 = vector.shape_cast %get3A_9 : vector<1x1024x128xf32> to vector<1024x128xf32>
    %convert_element_type3A_11 = arith.truncf %get3A_10 : vector<1024x128xf32> to vector<1024x128xbf16>
    %dot_general3A = arith.constant dense<0.000000e+00> : vector<1024x128xf32>
    %dot_general3A_12 = tpu.matmul %convert_element_type3A_11, %convert_element_type3A, %dot_general3A {dimension_numbers = #tpu.dot_dimension_numbers<[1], [0], [0], [1], [0, 0, 1, 1], [], []>, transpose_lhs_hint = false} : vector<1024x128xbf16>, vector<128x128xbf16>, vector<1024x128xf32> -> vector<1024x128xf32>
    %add3A = vector.broadcast %get3A_4 : vector<1x128xf32> to vector<1024x128xf32>
    %add3A_13 = arith.addf %dot_general3A_12, %add3A : vector<1024x128xf32>
    %reshape3A = vector.shape_cast %add3A_13 : vector<1024x128xf32> to vector<128x8x128xf32>
    %reduce_max3A = arith.constant dense<0xFF800000> : vector<8x128xf32>
    %reduce_max3A_14 = vector.multi_reduction <maximumf>, %reshape3A, %reduce_max3A [0] : vector<128x8x128xf32> to vector<8x128xf32>
    %max3A = arith.maximumf %broadcast_in_dim3A_5, %reduce_max3A_14 : vector<8x128xf32>
    %slice3A = vector.extract_strided_slice %add3A_13 {offsets = [0, 0], sizes = [512, 128], strides = [1, 1]} : vector<1024x128xf32> to vector<512x128xf32>
    %slice3A_15 = vector.extract_strided_slice %add3A_13 {offsets = [512, 0], sizes = [512, 128], strides = [1, 1]} : vector<1024x128xf32> to vector<512x128xf32>
    %add3A_16 = arith.addf %slice3A, %slice3A_15 : vector<512x128xf32>
    %get3A_17 = arith.constant 0 : index
    %get3A_18 = arith.constant 512 : index
    %get3A_19 = arith.constant 0 : index
    %get3A_20 = vector.load %arg1[%get3A_17, %get3A_18, %get3A_19] : memref<4x2048x128xf32, #tpu.memory_space<vmem>>, vector<1x512x128xf32>
    %get3A_21 = vector.shape_cast %get3A_20 : vector<1x512x128xf32> to vector<512x128xf32>
    %convert_element_type3A_22 = arith.truncf %get3A_21 : vector<512x128xf32> to vector<512x128xbf16>
    %dot_general3A_23 = arith.constant dense<0.000000e+00> : vector<512x128xf32>
    %dot_general3A_24 = tpu.matmul %convert_element_type3A_22, %convert_element_type3A, %dot_general3A_23 {dimension_numbers = #tpu.dot_dimension_numbers<[1], [0], [0], [1], [0, 0, 1, 1], [], []>, transpose_lhs_hint = false} : vector<512x128xbf16>, vector<128x128xbf16>, vector<512x128xf32> -> vector<512x128xf32>
    %add3A_25 = vector.broadcast %get3A_4 : vector<1x128xf32> to vector<512x128xf32>
    %add3A_26 = arith.addf %dot_general3A_24, %add3A_25 : vector<512x128xf32>
    %add3A_27 = arith.addf %add3A_26, %add3A_16 : vector<512x128xf32>
    %reshape3A_28 = vector.shape_cast %add3A_27 : vector<512x128xf32> to vector<64x8x128xf32>
    %reduce_max3A_29 = arith.constant dense<0xFF800000> : vector<8x128xf32>
    %reduce_max3A_30 = vector.multi_reduction <maximumf>, %reshape3A_28, %reduce_max3A_29 [0] : vector<64x8x128xf32> to vector<8x128xf32>
    %max3A_31 = arith.maximumf %max3A, %reduce_max3A_30 : vector<8x128xf32>
    %slice3A_32 = vector.extract_strided_slice %add3A_27 {offsets = [0, 0], sizes = [256, 128], strides = [1, 1]} : vector<512x128xf32> to vector<256x128xf32>
    %slice3A_33 = vector.extract_strided_slice %add3A_27 {offsets = [256, 0], sizes = [256, 128], strides = [1, 1]} : vector<512x128xf32> to vector<256x128xf32>
    %add3A_34 = arith.addf %slice3A_32, %slice3A_33 : vector<256x128xf32>
    %get3A_35 = arith.constant 0 : index
    %get3A_36 = arith.constant 256 : index
    %get3A_37 = arith.constant 0 : index
    %get3A_38 = vector.load %arg1[%get3A_35, %get3A_36, %get3A_37] : memref<4x2048x128xf32, #tpu.memory_space<vmem>>, vector<1x256x128xf32>
    %get3A_39 = vector.shape_cast %get3A_38 : vector<1x256x128xf32> to vector<256x128xf32>
    %convert_element_type3A_40 = arith.truncf %get3A_39 : vector<256x128xf32> to vector<256x128xbf16>
    %dot_general3A_41 = arith.constant dense<0.000000e+00> : vector<256x128xf32>
    %dot_general3A_42 = tpu.matmul %convert_element_type3A_40, %convert_element_type3A, %dot_general3A_41 {dimension_numbers = #tpu.dot_dimension_numbers<[1], [0], [0], [1], [0, 0, 1, 1], [], []>, transpose_lhs_hint = false} : vector<256x128xbf16>, vector<128x128xbf16>, vector<256x128xf32> -> vector<256x128xf32>
    %add3A_43 = vector.broadcast %get3A_4 : vector<1x128xf32> to vector<256x128xf32>
    %add3A_44 = arith.addf %dot_general3A_42, %add3A_43 : vector<256x128xf32>
    %add3A_45 = arith.addf %add3A_44, %add3A_34 : vector<256x128xf32>
    %reshape3A_46 = vector.shape_cast %add3A_45 : vector<256x128xf32> to vector<32x8x128xf32>
    %reduce_max3A_47 = arith.constant dense<0xFF800000> : vector<8x128xf32>
    %reduce_max3A_48 = vector.multi_reduction <maximumf>, %reshape3A_46, %reduce_max3A_47 [0] : vector<32x8x128xf32> to vector<8x128xf32>
    %max3A_49 = arith.maximumf %max3A_31, %reduce_max3A_48 : vector<8x128xf32>
    %slice3A_50 = vector.extract_strided_slice %add3A_45 {offsets = [0, 0], sizes = [128, 128], strides = [1, 1]} : vector<256x128xf32> to vector<128x128xf32>
    %slice3A_51 = vector.extract_strided_slice %add3A_45 {offsets = [128, 0], sizes = [128, 128], strides = [1, 1]} : vector<256x128xf32> to vector<128x128xf32>
    %add3A_52 = arith.addf %slice3A_50, %slice3A_51 : vector<128x128xf32>
    %get3A_53 = arith.constant 0 : index
    %get3A_54 = arith.constant 128 : index
    %get3A_55 = arith.constant 0 : index
    %get3A_56 = vector.load %arg1[%get3A_53, %get3A_54, %get3A_55] : memref<4x2048x128xf32, #tpu.memory_space<vmem>>, vector<1x128x128xf32>
    %get3A_57 = vector.shape_cast %get3A_56 : vector<1x128x128xf32> to vector<128x128xf32>
    %convert_element_type3A_58 = arith.truncf %get3A_57 : vector<128x128xf32> to vector<128x128xbf16>
    %dot_general3A_59 = arith.constant dense<0.000000e+00> : vector<128x128xf32>
    %dot_general3A_60 = tpu.matmul %convert_element_type3A_58, %convert_element_type3A, %dot_general3A_59 {dimension_numbers = #tpu.dot_dimension_numbers<[1], [0], [0], [1], [0, 0, 1, 1], [], []>, transpose_lhs_hint = false} : vector<128x128xbf16>, vector<128x128xbf16>, vector<128x128xf32> -> vector<128x128xf32>
    %add3A_61 = vector.broadcast %get3A_4 : vector<1x128xf32> to vector<128x128xf32>
    %add3A_62 = arith.addf %dot_general3A_60, %add3A_61 : vector<128x128xf32>
    %add3A_63 = arith.addf %add3A_62, %add3A_52 : vector<128x128xf32>
    %reshape3A_64 = vector.shape_cast %add3A_63 : vector<128x128xf32> to vector<16x8x128xf32>
    %reduce_max3A_65 = arith.constant dense<0xFF800000> : vector<8x128xf32>
    %reduce_max3A_66 = vector.multi_reduction <maximumf>, %reshape3A_64, %reduce_max3A_65 [0] : vector<16x8x128xf32> to vector<8x128xf32>
    %max3A_67 = arith.maximumf %max3A_49, %reduce_max3A_66 : vector<8x128xf32>
    %slice3A_68 = vector.extract_strided_slice %add3A_63 {offsets = [0, 0], sizes = [64, 128], strides = [1, 1]} : vector<128x128xf32> to vector<64x128xf32>
    %slice3A_69 = vector.extract_strided_slice %add3A_63 {offsets = [64, 0], sizes = [64, 128], strides = [1, 1]} : vector<128x128xf32> to vector<64x128xf32>
    %add3A_70 = arith.addf %slice3A_68, %slice3A_69 : vector<64x128xf32>
    %get3A_71 = arith.constant 0 : index
    %get3A_72 = arith.constant 64 : index
    %get3A_73 = arith.constant 0 : index
    %get3A_74 = vector.load %arg1[%get3A_71, %get3A_72, %get3A_73] : memref<4x2048x128xf32, #tpu.memory_space<vmem>>, vector<1x64x128xf32>
    %get3A_75 = vector.shape_cast %get3A_74 : vector<1x64x128xf32> to vector<64x128xf32>
    %convert_element_type3A_76 = arith.truncf %get3A_75 : vector<64x128xf32> to vector<64x128xbf16>
    %dot_general3A_77 = arith.constant dense<0.000000e+00> : vector<64x128xf32>
    %dot_general3A_78 = tpu.matmul %convert_element_type3A_76, %convert_element_type3A, %dot_general3A_77 {dimension_numbers = #tpu.dot_dimension_numbers<[1], [0], [0], [1], [0, 0, 1, 1], [], []>, transpose_lhs_hint = false} : vector<64x128xbf16>, vector<128x128xbf16>, vector<64x128xf32> -> vector<64x128xf32>
    %add3A_79 = vector.broadcast %get3A_4 : vector<1x128xf32> to vector<64x128xf32>
    %add3A_80 = arith.addf %dot_general3A_78, %add3A_79 : vector<64x128xf32>
    %add3A_81 = arith.addf %add3A_80, %add3A_70 : vector<64x128xf32>
    %reshape3A_82 = vector.shape_cast %add3A_81 : vector<64x128xf32> to vector<8x8x128xf32>
    %reduce_max3A_83 = arith.constant dense<0xFF800000> : vector<8x128xf32>
    %reduce_max3A_84 = vector.multi_reduction <maximumf>, %reshape3A_82, %reduce_max3A_83 [0] : vector<8x8x128xf32> to vector<8x128xf32>
    %max3A_85 = arith.maximumf %max3A_67, %reduce_max3A_84 : vector<8x128xf32>
    %slice3A_86 = vector.extract_strided_slice %add3A_81 {offsets = [0, 0], sizes = [32, 128], strides = [1, 1]} : vector<64x128xf32> to vector<32x128xf32>
    %slice3A_87 = vector.extract_strided_slice %add3A_81 {offsets = [32, 0], sizes = [32, 128], strides = [1, 1]} : vector<64x128xf32> to vector<32x128xf32>
    %add3A_88 = arith.addf %slice3A_86, %slice3A_87 : vector<32x128xf32>
    %get3A_89 = arith.constant 0 : index
    %get3A_90 = arith.constant 32 : index
    %get3A_91 = arith.constant 0 : index
    %get3A_92 = vector.load %arg1[%get3A_89, %get3A_90, %get3A_91] : memref<4x2048x128xf32, #tpu.memory_space<vmem>>, vector<1x32x128xf32>
    %get3A_93 = vector.shape_cast %get3A_92 : vector<1x32x128xf32> to vector<32x128xf32>
    %convert_element_type3A_94 = arith.truncf %get3A_93 : vector<32x128xf32> to vector<32x128xbf16>
    %dot_general3A_95 = arith.constant dense<0.000000e+00> : vector<32x128xf32>
    %dot_general3A_96 = tpu.matmul %convert_element_type3A_94, %convert_element_type3A, %dot_general3A_95 {dimension_numbers = #tpu.dot_dimension_numbers<[1], [0], [0], [1], [0, 0, 1, 1], [], []>, transpose_lhs_hint = false} : vector<32x128xbf16>, vector<128x128xbf16>, vector<32x128xf32> -> vector<32x128xf32>
    %add3A_97 = vector.broadcast %get3A_4 : vector<1x128xf32> to vector<32x128xf32>
    %add3A_98 = arith.addf %dot_general3A_96, %add3A_97 : vector<32x128xf32>
    %add3A_99 = arith.addf %add3A_98, %add3A_88 : vector<32x128xf32>
    %reshape3A_100 = vector.shape_cast %add3A_99 : vector<32x128xf32> to vector<4x8x128xf32>
    %reduce_max3A_101 = arith.constant dense<0xFF800000> : vector<8x128xf32>
    %reduce_max3A_102 = vector.multi_reduction <maximumf>, %reshape3A_100, %reduce_max3A_101 [0] : vector<4x8x128xf32> to vector<8x128xf32>
    %max3A_103 = arith.maximumf %max3A_85, %reduce_max3A_102 : vector<8x128xf32>
    %slice3A_104 = vector.extract_strided_slice %add3A_99 {offsets = [0, 0], sizes = [16, 128], strides = [1, 1]} : vector<32x128xf32> to vector<16x128xf32>
    %slice3A_105 = vector.extract_strided_slice %add3A_99 {offsets = [16, 0], sizes = [16, 128], strides = [1, 1]} : vector<32x128xf32> to vector<16x128xf32>
    %add3A_106 = arith.addf %slice3A_104, %slice3A_105 : vector<16x128xf32>
    %get3A_107 = arith.constant 0 : index
    %get3A_108 = arith.constant 16 : index
    %get3A_109 = arith.constant 0 : index
    %get3A_110 = vector.load %arg1[%get3A_107, %get3A_108, %get3A_109] : memref<4x2048x128xf32, #tpu.memory_space<vmem>>, vector<1x16x128xf32>
    %get3A_111 = vector.shape_cast %get3A_110 : vector<1x16x128xf32> to vector<16x128xf32>
    %convert_element_type3A_112 = arith.truncf %get3A_111 : vector<16x128xf32> to vector<16x128xbf16>
    %dot_general3A_113 = arith.constant dense<0.000000e+00> : vector<16x128xf32>
    %dot_general3A_114 = tpu.matmul %convert_element_type3A_112, %convert_element_type3A, %dot_general3A_113 {dimension_numbers = #tpu.dot_dimension_numbers<[1], [0], [0], [1], [0, 0, 1, 1], [], []>, transpose_lhs_hint = false} : vector<16x128xbf16>, vector<128x128xbf16>, vector<16x128xf32> -> vector<16x128xf32>
    %add3A_115 = vector.broadcast %get3A_4 : vector<1x128xf32> to vector<16x128xf32>
    %add3A_116 = arith.addf %dot_general3A_114, %add3A_115 : vector<16x128xf32>
    %add3A_117 = arith.addf %add3A_116, %add3A_106 : vector<16x128xf32>
    %reshape3A_118 = vector.shape_cast %add3A_117 : vector<16x128xf32> to vector<2x8x128xf32>
    %reduce_max3A_119 = arith.constant dense<0xFF800000> : vector<8x128xf32>
    %reduce_max3A_120 = vector.multi_reduction <maximumf>, %reshape3A_118, %reduce_max3A_119 [0] : vector<2x8x128xf32> to vector<8x128xf32>
    %max3A_121 = arith.maximumf %max3A_103, %reduce_max3A_120 : vector<8x128xf32>
    %slice3A_122 = vector.extract_strided_slice %add3A_117 {offsets = [0, 0], sizes = [8, 128], strides = [1, 1]} : vector<16x128xf32> to vector<8x128xf32>
    %slice3A_123 = vector.extract_strided_slice %add3A_117 {offsets = [8, 0], sizes = [8, 128], strides = [1, 1]} : vector<16x128xf32> to vector<8x128xf32>
    %add3A_124 = arith.addf %slice3A_122, %slice3A_123 : vector<8x128xf32>
    %get3A_125 = arith.constant 0 : index
    %get3A_126 = arith.constant 8 : index
    %get3A_127 = arith.constant 0 : index
    %get3A_128 = vector.load %arg1[%get3A_125, %get3A_126, %get3A_127] : memref<4x2048x128xf32, #tpu.memory_space<vmem>>, vector<1x8x128xf32>
    %get3A_129 = vector.shape_cast %get3A_128 : vector<1x8x128xf32> to vector<8x128xf32>
    %convert_element_type3A_130 = arith.truncf %get3A_129 : vector<8x128xf32> to vector<8x128xbf16>
    %dot_general3A_131 = arith.constant dense<0.000000e+00> : vector<8x128xf32>
    %dot_general3A_132 = tpu.matmul %convert_element_type3A_130, %convert_element_type3A, %dot_general3A_131 {dimension_numbers = #tpu.dot_dimension_numbers<[1], [0], [0], [1], [0, 0, 1, 1], [], []>, transpose_lhs_hint = false} : vector<8x128xbf16>, vector<128x128xbf16>, vector<8x128xf32> -> vector<8x128xf32>
    %add3A_133 = vector.broadcast %get3A_4 : vector<1x128xf32> to vector<8x128xf32>
    %add3A_134 = arith.addf %dot_general3A_132, %add3A_133 : vector<8x128xf32>
    %add3A_135 = arith.addf %add3A_134, %add3A_124 : vector<8x128xf32>
    %reshape3A_136 = vector.shape_cast %add3A_135 : vector<8x128xf32> to vector<1x8x128xf32>
    %reduce_max3A_137 = arith.constant dense<0xFF800000> : vector<8x128xf32>
    %reduce_max3A_138 = vector.multi_reduction <maximumf>, %reshape3A_136, %reduce_max3A_137 [0] : vector<1x8x128xf32> to vector<8x128xf32>
    %max3A_139 = arith.maximumf %max3A_121, %reduce_max3A_138 : vector<8x128xf32>
    %slice3A_140 = vector.extract_strided_slice %add3A_135 {offsets = [0, 0], sizes = [4, 128], strides = [1, 1]} : vector<8x128xf32> to vector<4x128xf32>
    %slice3A_141 = vector.extract_strided_slice %add3A_135 {offsets = [4, 0], sizes = [4, 128], strides = [1, 1]} : vector<8x128xf32> to vector<4x128xf32>
    %add3A_142 = arith.addf %slice3A_140, %slice3A_141 : vector<4x128xf32>
    %get3A_143 = arith.constant 0 : index
    %get3A_144 = arith.constant 4 : index
    %get3A_145 = arith.constant 0 : index
    %get3A_146 = vector.load %arg1[%get3A_143, %get3A_144, %get3A_145] : memref<4x2048x128xf32, #tpu.memory_space<vmem>>, vector<1x4x128xf32>
    %get3A_147 = vector.shape_cast %get3A_146 : vector<1x4x128xf32> to vector<4x128xf32>
    %convert_element_type3A_148 = arith.truncf %get3A_147 : vector<4x128xf32> to vector<4x128xbf16>
    %dot_general3A_149 = arith.constant dense<0.000000e+00> : vector<4x128xf32>
    %dot_general3A_150 = tpu.matmul %convert_element_type3A_148, %convert_element_type3A, %dot_general3A_149 {dimension_numbers = #tpu.dot_dimension_numbers<[1], [0], [0], [1], [0, 0, 1, 1], [], []>, transpose_lhs_hint = false} : vector<4x128xbf16>, vector<128x128xbf16>, vector<4x128xf32> -> vector<4x128xf32>
    %add3A_151 = vector.broadcast %get3A_4 : vector<1x128xf32> to vector<4x128xf32>
    %add3A_152 = arith.addf %dot_general3A_150, %add3A_151 : vector<4x128xf32>
    %add3A_153 = arith.addf %add3A_152, %add3A_142 : vector<4x128xf32>
    %reduce_max3A_154 = arith.constant dense<0xFF800000> : vector<128xf32>
    %reduce_max3A_155 = vector.multi_reduction <maximumf>, %add3A_153, %reduce_max3A_154 [0] : vector<4x128xf32> to vector<128xf32>
    %broadcast_in_dim3A_156 = vector.shape_cast %reduce_max3A_155 : vector<128xf32> to vector<1x128xf32>
    %max3A_157 = vector.broadcast %broadcast_in_dim3A_156 : vector<1x128xf32> to vector<8x128xf32>
    %max3A_158 = arith.maximumf %max3A_139, %max3A_157 : vector<8x128xf32>
    %slice3A_159 = vector.extract_strided_slice %add3A_153 {offsets = [0, 0], sizes = [2, 128], strides = [1, 1]} : vector<4x128xf32> to vector<2x128xf32>
    %slice3A_160 = vector.extract_strided_slice %add3A_153 {offsets = [2, 0], sizes = [2, 128], strides = [1, 1]} : vector<4x128xf32> to vector<2x128xf32>
    %add3A_161 = arith.addf %slice3A_159, %slice3A_160 : vector<2x128xf32>
    %get3A_162 = arith.constant 0 : index
    %get3A_163 = arith.constant 2 : index
    %get3A_164 = arith.constant 0 : index
    %get3A_165 = vector.load %arg1[%get3A_162, %get3A_163, %get3A_164] : memref<4x2048x128xf32, #tpu.memory_space<vmem>>, vector<1x2x128xf32>
    %get3A_166 = vector.shape_cast %get3A_165 : vector<1x2x128xf32> to vector<2x128xf32>
    %convert_element_type3A_167 = arith.truncf %get3A_166 : vector<2x128xf32> to vector<2x128xbf16>
    %dot_general3A_168 = arith.constant dense<0.000000e+00> : vector<2x128xf32>
    %dot_general3A_169 = tpu.matmul %convert_element_type3A_167, %convert_element_type3A, %dot_general3A_168 {dimension_numbers = #tpu.dot_dimension_numbers<[1], [0], [0], [1], [0, 0, 1, 1], [], []>, transpose_lhs_hint = false} : vector<2x128xbf16>, vector<128x128xbf16>, vector<2x128xf32> -> vector<2x128xf32>
    %add3A_170 = vector.broadcast %get3A_4 : vector<1x128xf32> to vector<2x128xf32>
    %add3A_171 = arith.addf %dot_general3A_169, %add3A_170 : vector<2x128xf32>
    %add3A_172 = arith.addf %add3A_171, %add3A_161 : vector<2x128xf32>
    %reduce_max3A_173 = arith.constant dense<0xFF800000> : vector<128xf32>
    %reduce_max3A_174 = vector.multi_reduction <maximumf>, %add3A_172, %reduce_max3A_173 [0] : vector<2x128xf32> to vector<128xf32>
    %broadcast_in_dim3A_175 = vector.shape_cast %reduce_max3A_174 : vector<128xf32> to vector<1x128xf32>
    %max3A_176 = vector.broadcast %broadcast_in_dim3A_175 : vector<1x128xf32> to vector<8x128xf32>
    %max3A_177 = arith.maximumf %max3A_158, %max3A_176 : vector<8x128xf32>
    %slice3A_178 = vector.extract_strided_slice %add3A_172 {offsets = [0, 0], sizes = [1, 128], strides = [1, 1]} : vector<2x128xf32> to vector<1x128xf32>
    %slice3A_179 = vector.extract_strided_slice %add3A_172 {offsets = [1, 0], sizes = [1, 128], strides = [1, 1]} : vector<2x128xf32> to vector<1x128xf32>
    %add3A_180 = arith.addf %slice3A_178, %slice3A_179 : vector<1x128xf32>
    %get3A_181 = arith.constant 0 : index
    %get3A_182 = arith.constant 1 : index
    %get3A_183 = arith.constant 0 : index
    %get3A_184 = vector.load %arg1[%get3A_181, %get3A_182, %get3A_183] : memref<4x2048x128xf32, #tpu.memory_space<vmem>>, vector<1x1x128xf32>
    %get3A_185 = vector.shape_cast %get3A_184 : vector<1x1x128xf32> to vector<1x128xf32>
    %convert_element_type3A_186 = arith.truncf %get3A_185 : vector<1x128xf32> to vector<1x128xbf16>
    %dot_general3A_187 = arith.constant dense<0.000000e+00> : vector<1x128xf32>
    %dot_general3A_188 = tpu.matmul %convert_element_type3A_186, %convert_element_type3A, %dot_general3A_187 {dimension_numbers = #tpu.dot_dimension_numbers<[1], [0], [0], [1], [0, 0, 1, 1], [], []>, transpose_lhs_hint = false} : vector<1x128xbf16>, vector<128x128xbf16>, vector<1x128xf32> -> vector<1x128xf32>
    %add3A_189 = arith.addf %dot_general3A_188, %get3A_4 : vector<1x128xf32>
    %add3A_190 = arith.addf %add3A_189, %add3A_180 : vector<1x128xf32>
    %reduce_max3A_191 = arith.constant dense<0xFF800000> : vector<128xf32>
    %reduce_max3A_192 = vector.multi_reduction <maximumf>, %add3A_190, %reduce_max3A_191 [0] : vector<1x128xf32> to vector<128xf32>
    %broadcast_in_dim3A_193 = vector.shape_cast %reduce_max3A_192 : vector<128xf32> to vector<1x128xf32>
    %max3A_194 = vector.broadcast %broadcast_in_dim3A_193 : vector<1x128xf32> to vector<8x128xf32>
    %max3A_195 = arith.maximumf %max3A_177, %max3A_194 : vector<8x128xf32>
    %reduce_max3A_196 = arith.constant dense<0xFF800000> : vector<128xf32>
    %reduce_max3A_197 = vector.multi_reduction <maximumf>, %max3A_195, %reduce_max3A_196 [0] : vector<8x128xf32> to vector<128xf32>
    %broadcast_in_dim3A_198 = vector.shape_cast %reduce_max3A_197 : vector<128xf32> to vector<1x128xf32>
    %swap3A = arith.constant 0 : index
    %swap3A_199 = arith.constant 0 : index
    %swap3A_200 = arith.constant 0 : index
    %swap3A_201 = vector.load %arg4[%swap3A, %swap3A_199, %swap3A_200] : memref<4x1x128xf32, #tpu.memory_space<vmem>>, vector<1x1x128xf32>
    %swap3A_202 = vector.shape_cast %swap3A_201 : vector<1x1x128xf32> to vector<1x128xf32>
    %swap3A_203 = vector.shape_cast %broadcast_in_dim3A_198 : vector<1x128xf32> to vector<1x1x128xf32>
    tpu.vector_store %arg4[%swap3A, %swap3A_199, %swap3A_200], %swap3A_203 {strides = array<i32>} : memref<4x1x128xf32, #tpu.memory_space<vmem>>, vector<1x1x128xf32>,
    %broadcast_in_dim3A_204 = arith.constant 0xFF800000 : f32
    %broadcast_in_dim3A_205 = vector.broadcast %broadcast_in_dim3A_204 : f32 to vector<8x128xf32>
    %get3A_206 = arith.constant 1 : index
    %get3A_207 = arith.constant 1024 : index
    %get3A_208 = arith.constant 0 : index
    %get3A_209 = vector.load %arg1[%get3A_206, %get3A_207, %get3A_208] : memref<4x2048x128xf32, #tpu.memory_space<vmem>>, vector<1x1024x128xf32>
    %get3A_210 = vector.shape_cast %get3A_209 : vector<1x1024x128xf32> to vector<1024x128xf32>
    %convert_element_type3A_211 = arith.truncf %get3A_210 : vector<1024x128xf32> to vector<1024x128xbf16>
    %dot_general3A_212 = arith.constant dense<0.000000e+00> : vector<1024x128xf32>
    %dot_general3A_213 = tpu.matmul %convert_element_type3A_211, %convert_element_type3A, %dot_general3A_212 {dimension_numbers = #tpu.dot_dimension_numbers<[1], [0], [0], [1], [0, 0, 1, 1], [], []>, transpose_lhs_hint = false} : vector<1024x128xbf16>, vector<128x128xbf16>, vector<1024x128xf32> -> vector<1024x128xf32>
    %add3A_214 = vector.broadcast %get3A_4 : vector<1x128xf32> to vector<1024x128xf32>
    %add3A_215 = arith.addf %dot_general3A_213, %add3A_214 : vector<1024x128xf32>
    %reshape3A_216 = vector.shape_cast %add3A_215 : vector<1024x128xf32> to vector<128x8x128xf32>
    %reduce_max3A_217 = arith.constant dense<0xFF800000> : vector<8x128xf32>
    %reduce_max3A_218 = vector.multi_reduction <maximumf>, %reshape3A_216, %reduce_max3A_217 [0] : vector<128x8x128xf32> to vector<8x128xf32>
    %max3A_219 = arith.maximumf %broadcast_in_dim3A_205, %reduce_max3A_218 : vector<8x128xf32>
    %slice3A_220 = vector.extract_strided_slice %add3A_215 {offsets = [0, 0], sizes = [512, 128], strides = [1, 1]} : vector<1024x128xf32> to vector<512x128xf32>
    %slice3A_221 = vector.extract_strided_slice %add3A_215 {offsets = [512, 0], sizes = [512, 128], strides = [1, 1]} : vector<1024x128xf32> to vector<512x128xf32>
    %add3A_222 = arith.addf %slice3A_220, %slice3A_221 : vector<512x128xf32>
    %get3A_223 = arith.constant 1 : index
    %get3A_224 = arith.constant 512 : index
    %get3A_225 = arith.constant 0 : index
    %get3A_226 = vector.load %arg1[%get3A_223, %get3A_224, %get3A_225] : memref<4x2048x128xf32, #tpu.memory_space<vmem>>, vector<1x512x128xf32>
    %get3A_227 = vector.shape_cast %get3A_226 : vector<1x512x128xf32> to vector<512x128xf32>
    %convert_element_type3A_228 = arith.truncf %get3A_227 : vector<512x128xf32> to vector<512x128xbf16>
    %dot_general3A_229 = arith.constant dense<0.000000e+00> : vector<512x128xf32>
    %dot_general3A_230 = tpu.matmul %convert_element_type3A_228, %convert_element_type3A, %dot_general3A_229 {dimension_numbers = #tpu.dot_dimension_numbers<[1], [0], [0], [1], [0, 0, 1, 1], [], []>, transpose_lhs_hint = false} : vector<512x128xbf16>, vector<128x128xbf16>, vector<512x128xf32> -> vector<512x128xf32>
    %add3A_231 = vector.broadcast %get3A_4 : vector<1x128xf32> to vector<512x128xf32>
    %add3A_232 = arith.addf %dot_general3A_230, %add3A_231 : vector<512x128xf32>
    %add3A_233 = arith.addf %add3A_232, %add3A_222 : vector<512x128xf32>
    %reshape3A_234 = vector.shape_cast %add3A_233 : vector<512x128xf32> to vector<64x8x128xf32>
    %reduce_max3A_235 = arith.constant dense<0xFF800000> : vector<8x128xf32>
    %reduce_max3A_236 = vector.multi_reduction <maximumf>, %reshape3A_234, %reduce_max3A_235 [0] : vector<64x8x128xf32> to vector<8x128xf32>
    %max3A_237 = arith.maximumf %max3A_219, %reduce_max3A_236 : vector<8x128xf32>
    %slice3A_238 = vector.extract_strided_slice %add3A_233 {offsets = [0, 0], sizes = [256, 128], strides = [1, 1]} : vector<512x128xf32> to vector<256x128xf32>
    %slice3A_239 = vector.extract_strided_slice %add3A_233 {offsets = [256, 0], sizes = [256, 128], strides = [1, 1]} : vector<512x128xf32> to vector<256x128xf32>
    %add3A_240 = arith.addf %slice3A_238, %slice3A_239 : vector<256x128xf32>
    %get3A_241 = arith.constant 1 : index
    %get3A_242 = arith.constant 256 : index
    %get3A_243 = arith.constant 0 : index
    %get3A_244 = vector.load %arg1[%get3A_241, %get3A_242, %get3A_243] : memref<4x2048x128xf32, #tpu.memory_space<vmem>>, vector<1x256x128xf32>
    %get3A_245 = vector.shape_cast %get3A_244 : vector<1x256x128xf32> to vector<256x128xf32>
    %convert_element_type3A_246 = arith.truncf %get3A_245 : vector<256x128xf32> to vector<256x128xbf16>
    %dot_general3A_247 = arith.constant dense<0.000000e+00> : vector<256x128xf32>
    %dot_general3A_248 = tpu.matmul %convert_element_type3A_246, %convert_element_type3A, %dot_general3A_247 {dimension_numbers = #tpu.dot_dimension_numbers<[1], [0], [0], [1], [0, 0, 1, 1], [], []>, transpose_lhs_hint = false} : vector<256x128xbf16>, vector<128x128xbf16>, vector<256x128xf32> -> vector<256x128xf32>
    %add3A_249 = vector.broadcast %get3A_4 : vector<1x128xf32> to vector<256x128xf32>
    %add3A_250 = arith.addf %dot_general3A_248, %add3A_249 : vector<256x128xf32>
    %add3A_251 = arith.addf %add3A_250, %add3A_240 : vector<256x128xf32>
    %reshape3A_252 = vector.shape_cast %add3A_251 : vector<256x128xf32> to vector<32x8x128xf32>
    %reduce_max3A_253 = arith.constant dense<0xFF800000> : vector<8x128xf32>
    %reduce_max3A_254 = vector.multi_reduction <maximumf>, %reshape3A_252, %reduce_max3A_253 [0] : vector<32x8x128xf32> to vector<8x128xf32>
    %max3A_255 = arith.maximumf %max3A_237, %reduce_max3A_254 : vector<8x128xf32>
    %slice3A_256 = vector.extract_strided_slice %add3A_251 {offsets = [0, 0], sizes = [128, 128], strides = [1, 1]} : vector<256x128xf32> to vector<128x128xf32>
    %slice3A_257 = vector.extract_strided_slice %add3A_251 {offsets = [128, 0], sizes = [128, 128], strides = [1, 1]} : vector<256x128xf32> to vector<128x128xf32>
    %add3A_258 = arith.addf %slice3A_256, %slice3A_257 : vector<128x128xf32>
    %get3A_259 = arith.constant 1 : index
    %get3A_260 = arith.constant 128 : index
    %get3A_261 = arith.constant 0 : index
    %get3A_262 = vector.load %arg1[%get3A_259, %get3A_260, %get3A_261] : memref<4x2048x128xf32, #tpu.memory_space<vmem>>, vector<1x128x128xf32>
    %get3A_263 = vector.shape_cast %get3A_262 : vector<1x128x128xf32> to vector<128x128xf32>
    %convert_element_type3A_264 = arith.truncf %get3A_263 : vector<128x128xf32> to vector<128x128xbf16>
    %dot_general3A_265 = arith.constant dense<0.000000e+00> : vector<128x128xf32>
    %dot_general3A_266 = tpu.matmul %convert_element_type3A_264, %convert_element_type3A, %dot_general3A_265 {dimension_numbers = #tpu.dot_dimension_numbers<[1], [0], [0], [1], [0, 0, 1, 1], [], []>, transpose_lhs_hint = false} : vector<128x128xbf16>, vector<128x128xbf16>, vector<128x128xf32> -> vector<128x128xf32>
    %add3A_267 = vector.broadcast %get3A_4 : vector<1x128xf32> to vector<128x128xf32>
    %add3A_268 = arith.addf %dot_general3A_266, %add3A_267 : vector<128x128xf32>
    %add3A_269 = arith.addf %add3A_268, %add3A_258 : vector<128x128xf32>
    %reshape3A_270 = vector.shape_cast %add3A_269 : vector<128x128xf32> to vector<16x8x128xf32>
    %reduce_max3A_271 = arith.constant dense<0xFF800000> : vector<8x128xf32>
    %reduce_max3A_272 = vector.multi_reduction <maximumf>, %reshape3A_270, %reduce_max3A_271 [0] : vector<16x8x128xf32> to vector<8x128xf32>
    %max3A_273 = arith.maximumf %max3A_255, %reduce_max3A_272 : vector<8x128xf32>
    %slice3A_274 = vector.extract_strided_slice %add3A_269 {offsets = [0, 0], sizes = [64, 128], strides = [1, 1]} : vector<128x128xf32> to vector<64x128xf32>
    %slice3A_275 = vector.extract_strided_slice %add3A_269 {offsets = [64, 0], sizes = [64, 128], strides = [1, 1]} : vector<128x128xf32> to vector<64x128xf32>
    %add3A_276 = arith.addf %slice3A_274, %slice3A_275 : vector<64x128xf32>
    %get3A_277 = arith.constant 1 : index
    %get3A_278 = arith.constant 64 : index
    %get3A_279 = arith.constant 0 : index
    %get3A_280 = vector.load %arg1[%get3A_277, %get3A_278, %get3A_279] : memref<4x2048x128xf32, #tpu.memory_space<vmem>>, vector<1x64x128xf32>
    %get3A_281 = vector.shape_cast %get3A_280 : vector<1x64x128xf32> to vector<64x128xf32>
    %convert_element_type3A_282 = arith.truncf %get3A_281 : vector<64x128xf32> to vector<64x128xbf16>
    %dot_general3A_283 = arith.constant dense<0.000000e+00> : vector<64x128xf32>
    %dot_general3A_284 = tpu.matmul %convert_element_type3A_282, %convert_element_type3A, %dot_general3A_283 {dimension_numbers = #tpu.dot_dimension_numbers<[1], [0], [0], [1], [0, 0, 1, 1], [], []>, transpose_lhs_hint = false} : vector<64x128xbf16>, vector<128x128xbf16>, vector<64x128xf32> -> vector<64x128xf32>
    %add3A_285 = vector.broadcast %get3A_4 : vector<1x128xf32> to vector<64x128xf32>
    %add3A_286 = arith.addf %dot_general3A_284, %add3A_285 : vector<64x128xf32>
    %add3A_287 = arith.addf %add3A_286, %add3A_276 : vector<64x128xf32>
    %reshape3A_288 = vector.shape_cast %add3A_287 : vector<64x128xf32> to vector<8x8x128xf32>
    %reduce_max3A_289 = arith.constant dense<0xFF800000> : vector<8x128xf32>
    %reduce_max3A_290 = vector.multi_reduction <maximumf>, %reshape3A_288, %reduce_max3A_289 [0] : vector<8x8x128xf32> to vector<8x128xf32>
    %max3A_291 = arith.maximumf %max3A_273, %reduce_max3A_290 : vector<8x128xf32>
    %slice3A_292 = vector.extract_strided_slice %add3A_287 {offsets = [0, 0], sizes = [32, 128], strides = [1, 1]} : vector<64x128xf32> to vector<32x128xf32>
    %slice3A_293 = vector.extract_strided_slice %add3A_287 {offsets = [32, 0], sizes = [32, 128], strides = [1, 1]} : vector<64x128xf32> to vector<32x128xf32>
    %add3A_294 = arith.addf %slice3A_292, %slice3A_293 : vector<32x128xf32>
    %get3A_295 = arith.constant 1 : index
    %get3A_296 = arith.constant 32 : index
    %get3A_297 = arith.constant 0 : index
    %get3A_298 = vector.load %arg1[%get3A_295, %get3A_296, %get3A_297] : memref<4x2048x128xf32, #tpu.memory_space<vmem>>, vector<1x32x128xf32>
    %get3A_299 = vector.shape_cast %get3A_298 : vector<1x32x128xf32> to vector<32x128xf32>
    %convert_element_type3A_300 = arith.truncf %get3A_299 : vector<32x128xf32> to vector<32x128xbf16>
    %dot_general3A_301 = arith.constant dense<0.000000e+00> : vector<32x128xf32>
    %dot_general3A_302 = tpu.matmul %convert_element_type3A_300, %convert_element_type3A, %dot_general3A_301 {dimension_numbers = #tpu.dot_dimension_numbers<[1], [0], [0], [1], [0, 0, 1, 1], [], []>, transpose_lhs_hint = false} : vector<32x128xbf16>, vector<128x128xbf16>, vector<32x128xf32> -> vector<32x128xf32>
    %add3A_303 = vector.broadcast %get3A_4 : vector<1x128xf32> to vector<32x128xf32>
    %add3A_304 = arith.addf %dot_general3A_302, %add3A_303 : vector<32x128xf32>
    %add3A_305 = arith.addf %add3A_304, %add3A_294 : vector<32x128xf32>
    %reshape3A_306 = vector.shape_cast %add3A_305 : vector<32x128xf32> to vector<4x8x128xf32>
    %reduce_max3A_307 = arith.constant dense<0xFF800000> : vector<8x128xf32>
    %reduce_max3A_308 = vector.multi_reduction <maximumf>, %reshape3A_306, %reduce_max3A_307 [0] : vector<4x8x128xf32> to vector<8x128xf32>
    %max3A_309 = arith.maximumf %max3A_291, %reduce_max3A_308 : vector<8x128xf32>
    %slice3A_310 = vector.extract_strided_slice %add3A_305 {offsets = [0, 0], sizes = [16, 128], strides = [1, 1]} : vector<32x128xf32> to vector<16x128xf32>
    %slice3A_311 = vector.extract_strided_slice %add3A_305 {offsets = [16, 0], sizes = [16, 128], strides = [1, 1]} : vector<32x128xf32> to vector<16x128xf32>
    %add3A_312 = arith.addf %slice3A_310, %slice3A_311 : vector<16x128xf32>
    %get3A_313 = arith.constant 1 : index
    %get3A_314 = arith.constant 16 : index
    %get3A_315 = arith.constant 0 : index
    %get3A_316 = vector.load %arg1[%get3A_313, %get3A_314, %get3A_315] : memref<4x2048x128xf32, #tpu.memory_space<vmem>>, vector<1x16x128xf32>
    %get3A_317 = vector.shape_cast %get3A_316 : vector<1x16x128xf32> to vector<16x128xf32>
    %convert_element_type3A_318 = arith.truncf %get3A_317 : vector<16x128xf32> to vector<16x128xbf16>
    %dot_general3A_319 = arith.constant dense<0.000000e+00> : vector<16x128xf32>
    %dot_general3A_320 = tpu.matmul %convert_element_type3A_318, %convert_element_type3A, %dot_general3A_319 {dimension_numbers = #tpu.dot_dimension_numbers<[1], [0], [0], [1], [0, 0, 1, 1], [], []>, transpose_lhs_hint = false} : vector<16x128xbf16>, vector<128x128xbf16>, vector<16x128xf32> -> vector<16x128xf32>
    %add3A_321 = vector.broadcast %get3A_4 : vector<1x128xf32> to vector<16x128xf32>
    %add3A_322 = arith.addf %dot_general3A_320, %add3A_321 : vector<16x128xf32>
    %add3A_323 = arith.addf %add3A_322, %add3A_312 : vector<16x128xf32>
    %reshape3A_324 = vector.shape_cast %add3A_323 : vector<16x128xf32> to vector<2x8x128xf32>
    %reduce_max3A_325 = arith.constant dense<0xFF800000> : vector<8x128xf32>
    %reduce_max3A_326 = vector.multi_reduction <maximumf>, %reshape3A_324, %reduce_max3A_325 [0] : vector<2x8x128xf32> to vector<8x128xf32>
    %max3A_327 = arith.maximumf %max3A_309, %reduce_max3A_326 : vector<8x128xf32>
    %slice3A_328 = vector.extract_strided_slice %add3A_323 {offsets = [0, 0], sizes = [8, 128], strides = [1, 1]} : vector<16x128xf32> to vector<8x128xf32>
    %slice3A_329 = vector.extract_strided_slice %add3A_323 {offsets = [8, 0], sizes = [8, 128], strides = [1, 1]} : vector<16x128xf32> to vector<8x128xf32>
    %add3A_330 = arith.addf %slice3A_328, %slice3A_329 : vector<8x128xf32>
    %get3A_331 = arith.constant 1 : index
    %get3A_332 = arith.constant 8 : index
    %get3A_333 = arith.constant 0 : index
    %get3A_334 = vector.load %arg1[%get3A_331, %get3A_332, %get3A_333] : memref<4x2048x128xf32, #tpu.memory_space<vmem>>, vector<1x8x128xf32>
    %get3A_335 = vector.shape_cast %get3A_334 : vector<1x8x128xf32> to vector<8x128xf32>
    %convert_element_type3A_336 = arith.truncf %get3A_335 : vector<8x128xf32> to vector<8x128xbf16>
    %dot_general3A_337 = arith.constant dense<0.000000e+00> : vector<8x128xf32>
    %dot_general3A_338 = tpu.matmul %convert_element_type3A_336, %convert_element_type3A, %dot_general3A_337 {dimension_numbers = #tpu.dot_dimension_numbers<[1], [0], [0], [1], [0, 0, 1, 1], [], []>, transpose_lhs_hint = false} : vector<8x128xbf16>, vector<128x128xbf16>, vector<8x128xf32> -> vector<8x128xf32>
    %add3A_339 = vector.broadcast %get3A_4 : vector<1x128xf32> to vector<8x128xf32>
    %add3A_340 = arith.addf %dot_general3A_338, %add3A_339 : vector<8x128xf32>
    %add3A_341 = arith.addf %add3A_340, %add3A_330 : vector<8x128xf32>
    %reshape3A_342 = vector.shape_cast %add3A_341 : vector<8x128xf32> to vector<1x8x128xf32>
    %reduce_max3A_343 = arith.constant dense<0xFF800000> : vector<8x128xf32>
    %reduce_max3A_344 = vector.multi_reduction <maximumf>, %reshape3A_342, %reduce_max3A_343 [0] : vector<1x8x128xf32> to vector<8x128xf32>
    %max3A_345 = arith.maximumf %max3A_327, %reduce_max3A_344 : vector<8x128xf32>
    %slice3A_346 = vector.extract_strided_slice %add3A_341 {offsets = [0, 0], sizes = [4, 128], strides = [1, 1]} : vector<8x128xf32> to vector<4x128xf32>
    %slice3A_347 = vector.extract_strided_slice %add3A_341 {offsets = [4, 0], sizes = [4, 128], strides = [1, 1]} : vector<8x128xf32> to vector<4x128xf32>
    %add3A_348 = arith.addf %slice3A_346, %slice3A_347 : vector<4x128xf32>
    %get3A_349 = arith.constant 1 : index
    %get3A_350 = arith.constant 4 : index
    %get3A_351 = arith.constant 0 : index
    %get3A_352 = vector.load %arg1[%get3A_349, %get3A_350, %get3A_351] : memref<4x2048x128xf32, #tpu.memory_space<vmem>>, vector<1x4x128xf32>
    %get3A_353 = vector.shape_cast %get3A_352 : vector<1x4x128xf32> to vector<4x128xf32>
    %convert_element_type3A_354 = arith.truncf %get3A_353 : vector<4x128xf32> to vector<4x128xbf16>
    %dot_general3A_355 = arith.constant dense<0.000000e+00> : vector<4x128xf32>
    %dot_general3A_356 = tpu.matmul %convert_element_type3A_354, %convert_element_type3A, %dot_general3A_355 {dimension_numbers = #tpu.dot_dimension_numbers<[1], [0], [0], [1], [0, 0, 1, 1], [], []>, transpose_lhs_hint = false} : vector<4x128xbf16>, vector<128x128xbf16>, vector<4x128xf32> -> vector<4x128xf32>
    %add3A_357 = vector.broadcast %get3A_4 : vector<1x128xf32> to vector<4x128xf32>
    %add3A_358 = arith.addf %dot_general3A_356, %add3A_357 : vector<4x128xf32>
    %add3A_359 = arith.addf %add3A_358, %add3A_348 : vector<4x128xf32>
    %reduce_max3A_360 = arith.constant dense<0xFF800000> : vector<128xf32>
    %reduce_max3A_361 = vector.multi_reduction <maximumf>, %add3A_359, %reduce_max3A_360 [0] : vector<4x128xf32> to vector<128xf32>
    %broadcast_in_dim3A_362 = vector.shape_cast %reduce_max3A_361 : vector<128xf32> to vector<1x128xf32>
    %max3A_363 = vector.broadcast %broadcast_in_dim3A_362 : vector<1x128xf32> to vector<8x128xf32>
    %max3A_364 = arith.maximumf %max3A_345, %max3A_363 : vector<8x128xf32>
    %slice3A_365 = vector.extract_strided_slice %add3A_359 {offsets = [0, 0], sizes = [2, 128], strides = [1, 1]} : vector<4x128xf32> to vector<2x128xf32>
    %slice3A_366 = vector.extract_strided_slice %add3A_359 {offsets = [2, 0], sizes = [2, 128], strides = [1, 1]} : vector<4x128xf32> to vector<2x128xf32>
    %add3A_367 = arith.addf %slice3A_365, %slice3A_366 : vector<2x128xf32>
    %get3A_368 = arith.constant 1 : index
    %get3A_369 = arith.constant 2 : index
    %get3A_370 = arith.constant 0 : index
    %get3A_371 = vector.load %arg1[%get3A_368, %get3A_369, %get3A_370] : memref<4x2048x128xf32, #tpu.memory_space<vmem>>, vector<1x2x128xf32>
    %get3A_372 = vector.shape_cast %get3A_371 : vector<1x2x128xf32> to vector<2x128xf32>
    %convert_element_type3A_373 = arith.truncf %get3A_372 : vector<2x128xf32> to vector<2x128xbf16>
    %dot_general3A_374 = arith.constant dense<0.000000e+00> : vector<2x128xf32>
    %dot_general3A_375 = tpu.matmul %convert_element_type3A_373, %convert_element_type3A, %dot_general3A_374 {dimension_numbers = #tpu.dot_dimension_numbers<[1], [0], [0], [1], [0, 0, 1, 1], [], []>, transpose_lhs_hint = false} : vector<2x128xbf16>, vector<128x128xbf16>, vector<2x128xf32> -> vector<2x128xf32>
    %add3A_376 = vector.broadcast %get3A_4 : vector<1x128xf32> to vector<2x128xf32>
    %add3A_377 = arith.addf %dot_general3A_375, %add3A_376 : vector<2x128xf32>
    %add3A_378 = arith.addf %add3A_377, %add3A_367 : vector<2x128xf32>
    %reduce_max3A_379 = arith.constant dense<0xFF800000> : vector<128xf32>
    %reduce_max3A_380 = vector.multi_reduction <maximumf>, %add3A_378, %reduce_max3A_379 [0] : vector<2x128xf32> to vector<128xf32>
    %broadcast_in_dim3A_381 = vector.shape_cast %reduce_max3A_380 : vector<128xf32> to vector<1x128xf32>
    %max3A_382 = vector.broadcast %broadcast_in_dim3A_381 : vector<1x128xf32> to vector<8x128xf32>
    %max3A_383 = arith.maximumf %max3A_364, %max3A_382 : vector<8x128xf32>
    %slice3A_384 = vector.extract_strided_slice %add3A_378 {offsets = [0, 0], sizes = [1, 128], strides = [1, 1]} : vector<2x128xf32> to vector<1x128xf32>
    %slice3A_385 = vector.extract_strided_slice %add3A_378 {offsets = [1, 0], sizes = [1, 128], strides = [1, 1]} : vector<2x128xf32> to vector<1x128xf32>
    %add3A_386 = arith.addf %slice3A_384, %slice3A_385 : vector<1x128xf32>
    %get3A_387 = arith.constant 1 : index
    %get3A_388 = arith.constant 1 : index
    %get3A_389 = arith.constant 0 : index
    %get3A_390 = vector.load %arg1[%get3A_387, %get3A_388, %get3A_389] : memref<4x2048x128xf32, #tpu.memory_space<vmem>>, vector<1x1x128xf32>
    %get3A_391 = vector.shape_cast %get3A_390 : vector<1x1x128xf32> to vector<1x128xf32>
    %convert_element_type3A_392 = arith.truncf %get3A_391 : vector<1x128xf32> to vector<1x128xbf16>
    %dot_general3A_393 = arith.constant dense<0.000000e+00> : vector<1x128xf32>
    %dot_general3A_394 = tpu.matmul %convert_element_type3A_392, %convert_element_type3A, %dot_general3A_393 {dimension_numbers = #tpu.dot_dimension_numbers<[1], [0], [0], [1], [0, 0, 1, 1], [], []>, transpose_lhs_hint = false} : vector<1x128xbf16>, vector<128x128xbf16>, vector<1x128xf32> -> vector<1x128xf32>
    %add3A_395 = arith.addf %dot_general3A_394, %get3A_4 : vector<1x128xf32>
    %add3A_396 = arith.addf %add3A_395, %add3A_386 : vector<1x128xf32>
    %reduce_max3A_397 = arith.constant dense<0xFF800000> : vector<128xf32>
    %reduce_max3A_398 = vector.multi_reduction <maximumf>, %add3A_396, %reduce_max3A_397 [0] : vector<1x128xf32> to vector<128xf32>
    %broadcast_in_dim3A_399 = vector.shape_cast %reduce_max3A_398 : vector<128xf32> to vector<1x128xf32>
    %max3A_400 = vector.broadcast %broadcast_in_dim3A_399 : vector<1x128xf32> to vector<8x128xf32>
    %max3A_401 = arith.maximumf %max3A_383, %max3A_400 : vector<8x128xf32>
    %reduce_max3A_402 = arith.constant dense<0xFF800000> : vector<128xf32>
    %reduce_max3A_403 = vector.multi_reduction <maximumf>, %max3A_401, %reduce_max3A_402 [0] : vector<8x128xf32> to vector<128xf32>
    %broadcast_in_dim3A_404 = vector.shape_cast %reduce_max3A_403 : vector<128xf32> to vector<1x128xf32>
    %swap3A_405 = arith.constant 1 : index
    %swap3A_406 = arith.constant 0 : index
    %swap3A_407 = arith.constant 0 : index
    %swap3A_408 = vector.load %arg4[%swap3A_405, %swap3A_406, %swap3A_407] : memref<4x1x128xf32, #tpu.memory_space<vmem>>, vector<1x1x128xf32>
    %swap3A_409 = vector.shape_cast %swap3A_408 : vector<1x1x128xf32> to vector<1x128xf32>
    %swap3A_410 = vector.shape_cast %broadcast_in_dim3A_404 : vector<1x128xf32> to vector<1x1x128xf32>
    tpu.vector_store %arg4[%swap3A_405, %swap3A_406, %swap3A_407], %swap3A_410 {strides = array<i32>} : memref<4x1x128xf32, #tpu.memory_space<vmem>>, vector<1x1x128xf32>,
    %broadcast_in_dim3A_411 = arith.constant 0xFF800000 : f32
    %broadcast_in_dim3A_412 = vector.broadcast %broadcast_in_dim3A_411 : f32 to vector<8x128xf32>
    %get3A_413 = arith.constant 2 : index
    %get3A_414 = arith.constant 1024 : index
    %get3A_415 = arith.constant 0 : index
    %get3A_416 = vector.load %arg1[%get3A_413, %get3A_414, %get3A_415] : memref<4x2048x128xf32, #tpu.memory_space<vmem>>, vector<1x1024x128xf32>
    %get3A_417 = vector.shape_cast %get3A_416 : vector<1x1024x128xf32> to vector<1024x128xf32>
    %convert_element_type3A_418 = arith.truncf %get3A_417 : vector<1024x128xf32> to vector<1024x128xbf16>
    %dot_general3A_419 = arith.constant dense<0.000000e+00> : vector<1024x128xf32>
    %dot_general3A_420 = tpu.matmul %convert_element_type3A_418, %convert_element_type3A, %dot_general3A_419 {dimension_numbers = #tpu.dot_dimension_numbers<[1], [0], [0], [1], [0, 0, 1, 1], [], []>, transpose_lhs_hint = false} : vector<1024x128xbf16>, vector<128x128xbf16>, vector<1024x128xf32> -> vector<1024x128xf32>
    %add3A_421 = vector.broadcast %get3A_4 : vector<1x128xf32> to vector<1024x128xf32>
    %add3A_422 = arith.addf %dot_general3A_420, %add3A_421 : vector<1024x128xf32>
    %reshape3A_423 = vector.shape_cast %add3A_422 : vector<1024x128xf32> to vector<128x8x128xf32>
    %reduce_max3A_424 = arith.constant dense<0xFF800000> : vector<8x128xf32>
    %reduce_max3A_425 = vector.multi_reduction <maximumf>, %reshape3A_423, %reduce_max3A_424 [0] : vector<128x8x128xf32> to vector<8x128xf32>
    %max3A_426 = arith.maximumf %broadcast_in_dim3A_412, %reduce_max3A_425 : vector<8x128xf32>
    %slice3A_427 = vector.extract_strided_slice %add3A_422 {offsets = [0, 0], sizes = [512, 128], strides = [1, 1]} : vector<1024x128xf32> to vector<512x128xf32>
    %slice3A_428 = vector.extract_strided_slice %add3A_422 {offsets = [512, 0], sizes = [512, 128], strides = [1, 1]} : vector<1024x128xf32> to vector<512x128xf32>
    %add3A_429 = arith.addf %slice3A_427, %slice3A_428 : vector<512x128xf32>
    %get3A_430 = arith.constant 2 : index
    %get3A_431 = arith.constant 512 : index
    %get3A_432 = arith.constant 0 : index
    %get3A_433 = vector.load %arg1[%get3A_430, %get3A_431, %get3A_432] : memref<4x2048x128xf32, #tpu.memory_space<vmem>>, vector<1x512x128xf32>
    %get3A_434 = vector.shape_cast %get3A_433 : vector<1x512x128xf32> to vector<512x128xf32>
    %convert_element_type3A_435 = arith.truncf %get3A_434 : vector<512x128xf32> to vector<512x128xbf16>
    %dot_general3A_436 = arith.constant dense<0.000000e+00> : vector<512x128xf32>
    %dot_general3A_437 = tpu.matmul %convert_element_type3A_435, %convert_element_type3A, %dot_general3A_436 {dimension_numbers = #tpu.dot_dimension_numbers<[1], [0], [0], [1], [0, 0, 1, 1], [], []>, transpose_lhs_hint = false} : vector<512x128xbf16>, vector<128x128xbf16>, vector<512x128xf32> -> vector<512x128xf32>
    %add3A_438 = vector.broadcast %get3A_4 : vector<1x128xf32> to vector<512x128xf32>
    %add3A_439 = arith.addf %dot_general3A_437, %add3A_438 : vector<512x128xf32>
    %add3A_440 = arith.addf %add3A_439, %add3A_429 : vector<512x128xf32>
    %reshape3A_441 = vector.shape_cast %add3A_440 : vector<512x128xf32> to vector<64x8x128xf32>
    %reduce_max3A_442 = arith.constant dense<0xFF800000> : vector<8x128xf32>
    %reduce_max3A_443 = vector.multi_reduction <maximumf>, %reshape3A_441, %reduce_max3A_442 [0] : vector<64x8x128xf32> to vector<8x128xf32>
    %max3A_444 = arith.maximumf %max3A_426, %reduce_max3A_443 : vector<8x128xf32>
    %slice3A_445 = vector.extract_strided_slice %add3A_440 {offsets = [0, 0], sizes = [256, 128], strides = [1, 1]} : vector<512x128xf32> to vector<256x128xf32>
    %slice3A_446 = vector.extract_strided_slice %add3A_440 {offsets = [256, 0], sizes = [256, 128], strides = [1, 1]} : vector<512x128xf32> to vector<256x128xf32>
    %add3A_447 = arith.addf %slice3A_445, %slice3A_446 : vector<256x128xf32>
    %get3A_448 = arith.constant 2 : index
    %get3A_449 = arith.constant 256 : index
    %get3A_450 = arith.constant 0 : index
    %get3A_451 = vector.load %arg1[%get3A_448, %get3A_449, %get3A_450] : memref<4x2048x128xf32, #tpu.memory_space<vmem>>, vector<1x256x128xf32>
    %get3A_452 = vector.shape_cast %get3A_451 : vector<1x256x128xf32> to vector<256x128xf32>
    %convert_element_type3A_453 = arith.truncf %get3A_452 : vector<256x128xf32> to vector<256x128xbf16>
    %dot_general3A_454 = arith.constant dense<0.000000e+00> : vector<256x128xf32>
    %dot_general3A_455 = tpu.matmul %convert_element_type3A_453, %convert_element_type3A, %dot_general3A_454 {dimension_numbers = #tpu.dot_dimension_numbers<[1], [0], [0], [1], [0, 0, 1, 1], [], []>, transpose_lhs_hint = false} : vector<256x128xbf16>, vector<128x128xbf16>, vector<256x128xf32> -> vector<256x128xf32>
    %add3A_456 = vector.broadcast %get3A_4 : vector<1x128xf32> to vector<256x128xf32>
    %add3A_457 = arith.addf %dot_general3A_455, %add3A_456 : vector<256x128xf32>
    %add3A_458 = arith.addf %add3A_457, %add3A_447 : vector<256x128xf32>
    %reshape3A_459 = vector.shape_cast %add3A_458 : vector<256x128xf32> to vector<32x8x128xf32>
    %reduce_max3A_460 = arith.constant dense<0xFF800000> : vector<8x128xf32>
    %reduce_max3A_461 = vector.multi_reduction <maximumf>, %reshape3A_459, %reduce_max3A_460 [0] : vector<32x8x128xf32> to vector<8x128xf32>
    %max3A_462 = arith.maximumf %max3A_444, %reduce_max3A_461 : vector<8x128xf32>
    %slice3A_463 = vector.extract_strided_slice %add3A_458 {offsets = [0, 0], sizes = [128, 128], strides = [1, 1]} : vector<256x128xf32> to vector<128x128xf32>
    %slice3A_464 = vector.extract_strided_slice %add3A_458 {offsets = [128, 0], sizes = [128, 128], strides = [1, 1]} : vector<256x128xf32> to vector<128x128xf32>
    %add3A_465 = arith.addf %slice3A_463, %slice3A_464 : vector<128x128xf32>
    %get3A_466 = arith.constant 2 : index
    %get3A_467 = arith.constant 128 : index
    %get3A_468 = arith.constant 0 : index
    %get3A_469 = vector.load %arg1[%get3A_466, %get3A_467, %get3A_468] : memref<4x2048x128xf32, #tpu.memory_space<vmem>>, vector<1x128x128xf32>
    %get3A_470 = vector.shape_cast %get3A_469 : vector<1x128x128xf32> to vector<128x128xf32>
    %convert_element_type3A_471 = arith.truncf %get3A_470 : vector<128x128xf32> to vector<128x128xbf16>
    %dot_general3A_472 = arith.constant dense<0.000000e+00> : vector<128x128xf32>
    %dot_general3A_473 = tpu.matmul %convert_element_type3A_471, %convert_element_type3A, %dot_general3A_472 {dimension_numbers = #tpu.dot_dimension_numbers<[1], [0], [0], [1], [0, 0, 1, 1], [], []>, transpose_lhs_hint = false} : vector<128x128xbf16>, vector<128x128xbf16>, vector<128x128xf32> -> vector<128x128xf32>
    %add3A_474 = vector.broadcast %get3A_4 : vector<1x128xf32> to vector<128x128xf32>
    %add3A_475 = arith.addf %dot_general3A_473, %add3A_474 : vector<128x128xf32>
    %add3A_476 = arith.addf %add3A_475, %add3A_465 : vector<128x128xf32>
    %reshape3A_477 = vector.shape_cast %add3A_476 : vector<128x128xf32> to vector<16x8x128xf32>
    %reduce_max3A_478 = arith.constant dense<0xFF800000> : vector<8x128xf32>
    %reduce_max3A_479 = vector.multi_reduction <maximumf>, %reshape3A_477, %reduce_max3A_478 [0] : vector<16x8x128xf32> to vector<8x128xf32>
    %max3A_480 = arith.maximumf %max3A_462, %reduce_max3A_479 : vector<8x128xf32>
    %slice3A_481 = vector.extract_strided_slice %add3A_476 {offsets = [0, 0], sizes = [64, 128], strides = [1, 1]} : vector<128x128xf32> to vector<64x128xf32>
    %slice3A_482 = vector.extract_strided_slice %add3A_476 {offsets = [64, 0], sizes = [64, 128], strides = [1, 1]} : vector<128x128xf32> to vector<64x128xf32>
    %add3A_483 = arith.addf %slice3A_481, %slice3A_482 : vector<64x128xf32>
    %get3A_484 = arith.constant 2 : index
    %get3A_485 = arith.constant 64 : index
    %get3A_486 = arith.constant 0 : index
    %get3A_487 = vector.load %arg1[%get3A_484, %get3A_485, %get3A_486] : memref<4x2048x128xf32, #tpu.memory_space<vmem>>, vector<1x64x128xf32>
    %get3A_488 = vector.shape_cast %get3A_487 : vector<1x64x128xf32> to vector<64x128xf32>
    %convert_element_type3A_489 = arith.truncf %get3A_488 : vector<64x128xf32> to vector<64x128xbf16>
    %dot_general3A_490 = arith.constant dense<0.000000e+00> : vector<64x128xf32>
    %dot_general3A_491 = tpu.matmul %convert_element_type3A_489, %convert_element_type3A, %dot_general3A_490 {dimension_numbers = #tpu.dot_dimension_numbers<[1], [0], [0], [1], [0, 0, 1, 1], [], []>, transpose_lhs_hint = false} : vector<64x128xbf16>, vector<128x128xbf16>, vector<64x128xf32> -> vector<64x128xf32>
    %add3A_492 = vector.broadcast %get3A_4 : vector<1x128xf32> to vector<64x128xf32>
    %add3A_493 = arith.addf %dot_general3A_491, %add3A_492 : vector<64x128xf32>
    %add3A_494 = arith.addf %add3A_493, %add3A_483 : vector<64x128xf32>
    %reshape3A_495 = vector.shape_cast %add3A_494 : vector<64x128xf32> to vector<8x8x128xf32>
    %reduce_max3A_496 = arith.constant dense<0xFF800000> : vector<8x128xf32>
    %reduce_max3A_497 = vector.multi_reduction <maximumf>, %reshape3A_495, %reduce_max3A_496 [0] : vector<8x8x128xf32> to vector<8x128xf32>
    %max3A_498 = arith.maximumf %max3A_480, %reduce_max3A_497 : vector<8x128xf32>
    %slice3A_499 = vector.extract_strided_slice %add3A_494 {offsets = [0, 0], sizes = [32, 128], strides = [1, 1]} : vector<64x128xf32> to vector<32x128xf32>
    %slice3A_500 = vector.extract_strided_slice %add3A_494 {offsets = [32, 0], sizes = [32, 128], strides = [1, 1]} : vector<64x128xf32> to vector<32x128xf32>
    %add3A_501 = arith.addf %slice3A_499, %slice3A_500 : vector<32x128xf32>
    %get3A_502 = arith.constant 2 : index
    %get3A_503 = arith.constant 32 : index
    %get3A_504 = arith.constant 0 : index
    %get3A_505 = vector.load %arg1[%get3A_502, %get3A_503, %get3A_504] : memref<4x2048x128xf32, #tpu.memory_space<vmem>>, vector<1x32x128xf32>
    %get3A_506 = vector.shape_cast %get3A_505 : vector<1x32x128xf32> to vector<32x128xf32>
    %convert_element_type3A_507 = arith.truncf %get3A_506 : vector<32x128xf32> to vector<32x128xbf16>
    %dot_general3A_508 = arith.constant dense<0.000000e+00> : vector<32x128xf32>
    %dot_general3A_509 = tpu.matmul %convert_element_type3A_507, %convert_element_type3A, %dot_general3A_508 {dimension_numbers = #tpu.dot_dimension_numbers<[1], [0], [0], [1], [0, 0, 1, 1], [], []>, transpose_lhs_hint = false} : vector<32x128xbf16>, vector<128x128xbf16>, vector<32x128xf32> -> vector<32x128xf32>
    %add3A_510 = vector.broadcast %get3A_4 : vector<1x128xf32> to vector<32x128xf32>
    %add3A_511 = arith.addf %dot_general3A_509, %add3A_510 : vector<32x128xf32>
    %add3A_512 = arith.addf %add3A_511, %add3A_501 : vector<32x128xf32>
    %reshape3A_513 = vector.shape_cast %add3A_512 : vector<32x128xf32> to vector<4x8x128xf32>
    %reduce_max3A_514 = arith.constant dense<0xFF800000> : vector<8x128xf32>
    %reduce_max3A_515 = vector.multi_reduction <maximumf>, %reshape3A_513, %reduce_max3A_514 [0] : vector<4x8x128xf32> to vector<8x128xf32>
    %max3A_516 = arith.maximumf %max3A_498, %reduce_max3A_515 : vector<8x128xf32>
    %slice3A_517 = vector.extract_strided_slice %add3A_512 {offsets = [0, 0], sizes = [16, 128], strides = [1, 1]} : vector<32x128xf32> to vector<16x128xf32>
    %slice3A_518 = vector.extract_strided_slice %add3A_512 {offsets = [16, 0], sizes = [16, 128], strides = [1, 1]} : vector<32x128xf32> to vector<16x128xf32>
    %add3A_519 = arith.addf %slice3A_517, %slice3A_518 : vector<16x128xf32>
    %get3A_520 = arith.constant 2 : index
    %get3A_521 = arith.constant 16 : index
    %get3A_522 = arith.constant 0 : index
    %get3A_523 = vector.load %arg1[%get3A_520, %get3A_521, %get3A_522] : memref<4x2048x128xf32, #tpu.memory_space<vmem>>, vector<1x16x128xf32>
    %get3A_524 = vector.shape_cast %get3A_523 : vector<1x16x128xf32> to vector<16x128xf32>
    %convert_element_type3A_525 = arith.truncf %get3A_524 : vector<16x128xf32> to vector<16x128xbf16>
    %dot_general3A_526 = arith.constant dense<0.000000e+00> : vector<16x128xf32>
    %dot_general3A_527 = tpu.matmul %convert_element_type3A_525, %convert_element_type3A, %dot_general3A_526 {dimension_numbers = #tpu.dot_dimension_numbers<[1], [0], [0], [1], [0, 0, 1, 1], [], []>, transpose_lhs_hint = false} : vector<16x128xbf16>, vector<128x128xbf16>, vector<16x128xf32> -> vector<16x128xf32>
    %add3A_528 = vector.broadcast %get3A_4 : vector<1x128xf32> to vector<16x128xf32>
    %add3A_529 = arith.addf %dot_general3A_527, %add3A_528 : vector<16x128xf32>
    %add3A_530 = arith.addf %add3A_529, %add3A_519 : vector<16x128xf32>
    %reshape3A_531 = vector.shape_cast %add3A_530 : vector<16x128xf32> to vector<2x8x128xf32>
    %reduce_max3A_532 = arith.constant dense<0xFF800000> : vector<8x128xf32>
    %reduce_max3A_533 = vector.multi_reduction <maximumf>, %reshape3A_531, %reduce_max3A_532 [0] : vector<2x8x128xf32> to vector<8x128xf32>
    %max3A_534 = arith.maximumf %max3A_516, %reduce_max3A_533 : vector<8x128xf32>
    %slice3A_535 = vector.extract_strided_slice %add3A_530 {offsets = [0, 0], sizes = [8, 128], strides = [1, 1]} : vector<16x128xf32> to vector<8x128xf32>
    %slice3A_536 = vector.extract_strided_slice %add3A_530 {offsets = [8, 0], sizes = [8, 128], strides = [1, 1]} : vector<16x128xf32> to vector<8x128xf32>
    %add3A_537 = arith.addf %slice3A_535, %slice3A_536 : vector<8x128xf32>
    %get3A_538 = arith.constant 2 : index
    %get3A_539 = arith.constant 8 : index
    %get3A_540 = arith.constant 0 : index
    %get3A_541 = vector.load %arg1[%get3A_538, %get3A_539, %get3A_540] : memref<4x2048x128xf32, #tpu.memory_space<vmem>>, vector<1x8x128xf32>
    %get3A_542 = vector.shape_cast %get3A_541 : vector<1x8x128xf32> to vector<8x128xf32>
    %convert_element_type3A_543 = arith.truncf %get3A_542 : vector<8x128xf32> to vector<8x128xbf16>
    %dot_general3A_544 = arith.constant dense<0.000000e+00> : vector<8x128xf32>
    %dot_general3A_545 = tpu.matmul %convert_element_type3A_543, %convert_element_type3A, %dot_general3A_544 {dimension_numbers = #tpu.dot_dimension_numbers<[1], [0], [0], [1], [0, 0, 1, 1], [], []>, transpose_lhs_hint = false} : vector<8x128xbf16>, vector<128x128xbf16>, vector<8x128xf32> -> vector<8x128xf32>
    %add3A_546 = vector.broadcast %get3A_4 : vector<1x128xf32> to vector<8x128xf32>
    %add3A_547 = arith.addf %dot_general3A_545, %add3A_546 : vector<8x128xf32>
    %add3A_548 = arith.addf %add3A_547, %add3A_537 : vector<8x128xf32>
    %reshape3A_549 = vector.shape_cast %add3A_548 : vector<8x128xf32> to vector<1x8x128xf32>
    %reduce_max3A_550 = arith.constant dense<0xFF800000> : vector<8x128xf32>
    %reduce_max3A_551 = vector.multi_reduction <maximumf>, %reshape3A_549, %reduce_max3A_550 [0] : vector<1x8x128xf32> to vector<8x128xf32>
    %max3A_552 = arith.maximumf %max3A_534, %reduce_max3A_551 : vector<8x128xf32>
    %slice3A_553 = vector.extract_strided_slice %add3A_548 {offsets = [0, 0], sizes = [4, 128], strides = [1, 1]} : vector<8x128xf32> to vector<4x128xf32>
    %slice3A_554 = vector.extract_strided_slice %add3A_548 {offsets = [4, 0], sizes = [4, 128], strides = [1, 1]} : vector<8x128xf32> to vector<4x128xf32>
    %add3A_555 = arith.addf %slice3A_553, %slice3A_554 : vector<4x128xf32>
    %get3A_556 = arith.constant 2 : index
    %get3A_557 = arith.constant 4 : index
    %get3A_558 = arith.constant 0 : index
    %get3A_559 = vector.load %arg1[%get3A_556, %get3A_557, %get3A_558] : memref<4x2048x128xf32, #tpu.memory_space<vmem>>, vector<1x4x128xf32>
    %get3A_560 = vector.shape_cast %get3A_559 : vector<1x4x128xf32> to vector<4x128xf32>
    %convert_element_type3A_561 = arith.truncf %get3A_560 : vector<4x128xf32> to vector<4x128xbf16>
    %dot_general3A_562 = arith.constant dense<0.000000e+00> : vector<4x128xf32>
    %dot_general3A_563 = tpu.matmul %convert_element_type3A_561, %convert_element_type3A, %dot_general3A_562 {dimension_numbers = #tpu.dot_dimension_numbers<[1], [0], [0], [1], [0, 0, 1, 1], [], []>, transpose_lhs_hint = false} : vector<4x128xbf16>, vector<128x128xbf16>, vector<4x128xf32> -> vector<4x128xf32>
    %add3A_564 = vector.broadcast %get3A_4 : vector<1x128xf32> to vector<4x128xf32>
    %add3A_565 = arith.addf %dot_general3A_563, %add3A_564 : vector<4x128xf32>
    %add3A_566 = arith.addf %add3A_565, %add3A_555 : vector<4x128xf32>
    %reduce_max3A_567 = arith.constant dense<0xFF800000> : vector<128xf32>
    %reduce_max3A_568 = vector.multi_reduction <maximumf>, %add3A_566, %reduce_max3A_567 [0] : vector<4x128xf32> to vector<128xf32>
    %broadcast_in_dim3A_569 = vector.shape_cast %reduce_max3A_568 : vector<128xf32> to vector<1x128xf32>
    %max3A_570 = vector.broadcast %broadcast_in_dim3A_569 : vector<1x128xf32> to vector<8x128xf32>
    %max3A_571 = arith.maximumf %max3A_552, %max3A_570 : vector<8x128xf32>
    %slice3A_572 = vector.extract_strided_slice %add3A_566 {offsets = [0, 0], sizes = [2, 128], strides = [1, 1]} : vector<4x128xf32> to vector<2x128xf32>
    %slice3A_573 = vector.extract_strided_slice %add3A_566 {offsets = [2, 0], sizes = [2, 128], strides = [1, 1]} : vector<4x128xf32> to vector<2x128xf32>
    %add3A_574 = arith.addf %slice3A_572, %slice3A_573 : vector<2x128xf32>
    %get3A_575 = arith.constant 2 : index
    %get3A_576 = arith.constant 2 : index
    %get3A_577 = arith.constant 0 : index
    %get3A_578 = vector.load %arg1[%get3A_575, %get3A_576, %get3A_577] : memref<4x2048x128xf32, #tpu.memory_space<vmem>>, vector<1x2x128xf32>
    %get3A_579 = vector.shape_cast %get3A_578 : vector<1x2x128xf32> to vector<2x128xf32>
    %convert_element_type3A_580 = arith.truncf %get3A_579 : vector<2x128xf32> to vector<2x128xbf16>
    %dot_general3A_581 = arith.constant dense<0.000000e+00> : vector<2x128xf32>
    %dot_general3A_582 = tpu.matmul %convert_element_type3A_580, %convert_element_type3A, %dot_general3A_581 {dimension_numbers = #tpu.dot_dimension_numbers<[1], [0], [0], [1], [0, 0, 1, 1], [], []>, transpose_lhs_hint = false} : vector<2x128xbf16>, vector<128x128xbf16>, vector<2x128xf32> -> vector<2x128xf32>
    %add3A_583 = vector.broadcast %get3A_4 : vector<1x128xf32> to vector<2x128xf32>
    %add3A_584 = arith.addf %dot_general3A_582, %add3A_583 : vector<2x128xf32>
    %add3A_585 = arith.addf %add3A_584, %add3A_574 : vector<2x128xf32>
    %reduce_max3A_586 = arith.constant dense<0xFF800000> : vector<128xf32>
    %reduce_max3A_587 = vector.multi_reduction <maximumf>, %add3A_585, %reduce_max3A_586 [0] : vector<2x128xf32> to vector<128xf32>
    %broadcast_in_dim3A_588 = vector.shape_cast %reduce_max3A_587 : vector<128xf32> to vector<1x128xf32>
    %max3A_589 = vector.broadcast %broadcast_in_dim3A_588 : vector<1x128xf32> to vector<8x128xf32>
    %max3A_590 = arith.maximumf %max3A_571, %max3A_589 : vector<8x128xf32>
    %slice3A_591 = vector.extract_strided_slice %add3A_585 {offsets = [0, 0], sizes = [1, 128], strides = [1, 1]} : vector<2x128xf32> to vector<1x128xf32>
    %slice3A_592 = vector.extract_strided_slice %add3A_585 {offsets = [1, 0], sizes = [1, 128], strides = [1, 1]} : vector<2x128xf32> to vector<1x128xf32>
    %add3A_593 = arith.addf %slice3A_591, %slice3A_592 : vector<1x128xf32>
    %get3A_594 = arith.constant 2 : index
    %get3A_595 = arith.constant 1 : index
    %get3A_596 = arith.constant 0 : index
    %get3A_597 = vector.load %arg1[%get3A_594, %get3A_595, %get3A_596] : memref<4x2048x128xf32, #tpu.memory_space<vmem>>, vector<1x1x128xf32>
    %get3A_598 = vector.shape_cast %get3A_597 : vector<1x1x128xf32> to vector<1x128xf32>
    %convert_element_type3A_599 = arith.truncf %get3A_598 : vector<1x128xf32> to vector<1x128xbf16>
    %dot_general3A_600 = arith.constant dense<0.000000e+00> : vector<1x128xf32>
    %dot_general3A_601 = tpu.matmul %convert_element_type3A_599, %convert_element_type3A, %dot_general3A_600 {dimension_numbers = #tpu.dot_dimension_numbers<[1], [0], [0], [1], [0, 0, 1, 1], [], []>, transpose_lhs_hint = false} : vector<1x128xbf16>, vector<128x128xbf16>, vector<1x128xf32> -> vector<1x128xf32>
    %add3A_602 = arith.addf %dot_general3A_601, %get3A_4 : vector<1x128xf32>
    %add3A_603 = arith.addf %add3A_602, %add3A_593 : vector<1x128xf32>
    %reduce_max3A_604 = arith.constant dense<0xFF800000> : vector<128xf32>
    %reduce_max3A_605 = vector.multi_reduction <maximumf>, %add3A_603, %reduce_max3A_604 [0] : vector<1x128xf32> to vector<128xf32>
    %broadcast_in_dim3A_606 = vector.shape_cast %reduce_max3A_605 : vector<128xf32> to vector<1x128xf32>
    %max3A_607 = vector.broadcast %broadcast_in_dim3A_606 : vector<1x128xf32> to vector<8x128xf32>
    %max3A_608 = arith.maximumf %max3A_590, %max3A_607 : vector<8x128xf32>
    %reduce_max3A_609 = arith.constant dense<0xFF800000> : vector<128xf32>
    %reduce_max3A_610 = vector.multi_reduction <maximumf>, %max3A_608, %reduce_max3A_609 [0] : vector<8x128xf32> to vector<128xf32>
    %broadcast_in_dim3A_611 = vector.shape_cast %reduce_max3A_610 : vector<128xf32> to vector<1x128xf32>
    %swap3A_612 = arith.constant 2 : index
    %swap3A_613 = arith.constant 0 : index
    %swap3A_614 = arith.constant 0 : index
    %swap3A_615 = vector.load %arg4[%swap3A_612, %swap3A_613, %swap3A_614] : memref<4x1x128xf32, #tpu.memory_space<vmem>>, vector<1x1x128xf32>
    %swap3A_616 = vector.shape_cast %swap3A_615 : vector<1x1x128xf32> to vector<1x128xf32>
    %swap3A_617 = vector.shape_cast %broadcast_in_dim3A_611 : vector<1x128xf32> to vector<1x1x128xf32>
    tpu.vector_store %arg4[%swap3A_612, %swap3A_613, %swap3A_614], %swap3A_617 {strides = array<i32>} : memref<4x1x128xf32, #tpu.memory_space<vmem>>, vector<1x1x128xf32>,
    %broadcast_in_dim3A_618 = arith.constant 0xFF800000 : f32
    %broadcast_in_dim3A_619 = vector.broadcast %broadcast_in_dim3A_618 : f32 to vector<8x128xf32>
    %get3A_620 = arith.constant 3 : index
    %get3A_621 = arith.constant 1024 : index
    %get3A_622 = arith.constant 0 : index
    %get3A_623 = vector.load %arg1[%get3A_620, %get3A_621, %get3A_622] : memref<4x2048x128xf32, #tpu.memory_space<vmem>>, vector<1x1024x128xf32>
    %get3A_624 = vector.shape_cast %get3A_623 : vector<1x1024x128xf32> to vector<1024x128xf32>
    %convert_element_type3A_625 = arith.truncf %get3A_624 : vector<1024x128xf32> to vector<1024x128xbf16>
    %dot_general3A_626 = arith.constant dense<0.000000e+00> : vector<1024x128xf32>
    %dot_general3A_627 = tpu.matmul %convert_element_type3A_625, %convert_element_type3A, %dot_general3A_626 {dimension_numbers = #tpu.dot_dimension_numbers<[1], [0], [0], [1], [0, 0, 1, 1], [], []>, transpose_lhs_hint = false} : vector<1024x128xbf16>, vector<128x128xbf16>, vector<1024x128xf32> -> vector<1024x128xf32>
    %add3A_628 = vector.broadcast %get3A_4 : vector<1x128xf32> to vector<1024x128xf32>
    %add3A_629 = arith.addf %dot_general3A_627, %add3A_628 : vector<1024x128xf32>
    %reshape3A_630 = vector.shape_cast %add3A_629 : vector<1024x128xf32> to vector<128x8x128xf32>
    %reduce_max3A_631 = arith.constant dense<0xFF800000> : vector<8x128xf32>
    %reduce_max3A_632 = vector.multi_reduction <maximumf>, %reshape3A_630, %reduce_max3A_631 [0] : vector<128x8x128xf32> to vector<8x128xf32>
    %max3A_633 = arith.maximumf %broadcast_in_dim3A_619, %reduce_max3A_632 : vector<8x128xf32>
    %slice3A_634 = vector.extract_strided_slice %add3A_629 {offsets = [0, 0], sizes = [512, 128], strides = [1, 1]} : vector<1024x128xf32> to vector<512x128xf32>
    %slice3A_635 = vector.extract_strided_slice %add3A_629 {offsets = [512, 0], sizes = [512, 128], strides = [1, 1]} : vector<1024x128xf32> to vector<512x128xf32>
    %add3A_636 = arith.addf %slice3A_634, %slice3A_635 : vector<512x128xf32>
    %get3A_637 = arith.constant 3 : index
    %get3A_638 = arith.constant 512 : index
    %get3A_639 = arith.constant 0 : index
    %get3A_640 = vector.load %arg1[%get3A_637, %get3A_638, %get3A_639] : memref<4x2048x128xf32, #tpu.memory_space<vmem>>, vector<1x512x128xf32>
    %get3A_641 = vector.shape_cast %get3A_640 : vector<1x512x128xf32> to vector<512x128xf32>
    %convert_element_type3A_642 = arith.truncf %get3A_641 : vector<512x128xf32> to vector<512x128xbf16>
    %dot_general3A_643 = arith.constant dense<0.000000e+00> : vector<512x128xf32>
    %dot_general3A_644 = tpu.matmul %convert_element_type3A_642, %convert_element_type3A, %dot_general3A_643 {dimension_numbers = #tpu.dot_dimension_numbers<[1], [0], [0], [1], [0, 0, 1, 1], [], []>, transpose_lhs_hint = false} : vector<512x128xbf16>, vector<128x128xbf16>, vector<512x128xf32> -> vector<512x128xf32>
    %add3A_645 = vector.broadcast %get3A_4 : vector<1x128xf32> to vector<512x128xf32>
    %add3A_646 = arith.addf %dot_general3A_644, %add3A_645 : vector<512x128xf32>
    %add3A_647 = arith.addf %add3A_646, %add3A_636 : vector<512x128xf32>
    %reshape3A_648 = vector.shape_cast %add3A_647 : vector<512x128xf32> to vector<64x8x128xf32>
    %reduce_max3A_649 = arith.constant dense<0xFF800000> : vector<8x128xf32>
    %reduce_max3A_650 = vector.multi_reduction <maximumf>, %reshape3A_648, %reduce_max3A_649 [0] : vector<64x8x128xf32> to vector<8x128xf32>
    %max3A_651 = arith.maximumf %max3A_633, %reduce_max3A_650 : vector<8x128xf32>
    %slice3A_652 = vector.extract_strided_slice %add3A_647 {offsets = [0, 0], sizes = [256, 128], strides = [1, 1]} : vector<512x128xf32> to vector<256x128xf32>
    %slice3A_653 = vector.extract_strided_slice %add3A_647 {offsets = [256, 0], sizes = [256, 128], strides = [1, 1]} : vector<512x128xf32> to vector<256x128xf32>
    %add3A_654 = arith.addf %slice3A_652, %slice3A_653 : vector<256x128xf32>
    %get3A_655 = arith.constant 3 : index
    %get3A_656 = arith.constant 256 : index
    %get3A_657 = arith.constant 0 : index
    %get3A_658 = vector.load %arg1[%get3A_655, %get3A_656, %get3A_657] : memref<4x2048x128xf32, #tpu.memory_space<vmem>>, vector<1x256x128xf32>
    %get3A_659 = vector.shape_cast %get3A_658 : vector<1x256x128xf32> to vector<256x128xf32>
    %convert_element_type3A_660 = arith.truncf %get3A_659 : vector<256x128xf32> to vector<256x128xbf16>
    %dot_general3A_661 = arith.constant dense<0.000000e+00> : vector<256x128xf32>
    %dot_general3A_662 = tpu.matmul %convert_element_type3A_660, %convert_element_type3A, %dot_general3A_661 {dimension_numbers = #tpu.dot_dimension_numbers<[1], [0], [0], [1], [0, 0, 1, 1], [], []>, transpose_lhs_hint = false} : vector<256x128xbf16>, vector<128x128xbf16>, vector<256x128xf32> -> vector<256x128xf32>
    %add3A_663 = vector.broadcast %get3A_4 : vector<1x128xf32> to vector<256x128xf32>
    %add3A_664 = arith.addf %dot_general3A_662, %add3A_663 : vector<256x128xf32>
    %add3A_665 = arith.addf %add3A_664, %add3A_654 : vector<256x128xf32>
    %reshape3A_666 = vector.shape_cast %add3A_665 : vector<256x128xf32> to vector<32x8x128xf32>
    %reduce_max3A_667 = arith.constant dense<0xFF800000> : vector<8x128xf32>
    %reduce_max3A_668 = vector.multi_reduction <maximumf>, %reshape3A_666, %reduce_max3A_667 [0] : vector<32x8x128xf32> to vector<8x128xf32>
    %max3A_669 = arith.maximumf %max3A_651, %reduce_max3A_668 : vector<8x128xf32>
    %slice3A_670 = vector.extract_strided_slice %add3A_665 {offsets = [0, 0], sizes = [128, 128], strides = [1, 1]} : vector<256x128xf32> to vector<128x128xf32>
    %slice3A_671 = vector.extract_strided_slice %add3A_665 {offsets = [128, 0], sizes = [128, 128], strides = [1, 1]} : vector<256x128xf32> to vector<128x128xf32>
    %add3A_672 = arith.addf %slice3A_670, %slice3A_671 : vector<128x128xf32>
    %get3A_673 = arith.constant 3 : index
    %get3A_674 = arith.constant 128 : index
    %get3A_675 = arith.constant 0 : index
    %get3A_676 = vector.load %arg1[%get3A_673, %get3A_674, %get3A_675] : memref<4x2048x128xf32, #tpu.memory_space<vmem>>, vector<1x128x128xf32>
    %get3A_677 = vector.shape_cast %get3A_676 : vector<1x128x128xf32> to vector<128x128xf32>
    %convert_element_type3A_678 = arith.truncf %get3A_677 : vector<128x128xf32> to vector<128x128xbf16>
    %dot_general3A_679 = arith.constant dense<0.000000e+00> : vector<128x128xf32>
    %dot_general3A_680 = tpu.matmul %convert_element_type3A_678, %convert_element_type3A, %dot_general3A_679 {dimension_numbers = #tpu.dot_dimension_numbers<[1], [0], [0], [1], [0, 0, 1, 1], [], []>, transpose_lhs_hint = false} : vector<128x128xbf16>, vector<128x128xbf16>, vector<128x128xf32> -> vector<128x128xf32>
    %add3A_681 = vector.broadcast %get3A_4 : vector<1x128xf32> to vector<128x128xf32>
    %add3A_682 = arith.addf %dot_general3A_680, %add3A_681 : vector<128x128xf32>
    %add3A_683 = arith.addf %add3A_682, %add3A_672 : vector<128x128xf32>
    %reshape3A_684 = vector.shape_cast %add3A_683 : vector<128x128xf32> to vector<16x8x128xf32>
    %reduce_max3A_685 = arith.constant dense<0xFF800000> : vector<8x128xf32>
    %reduce_max3A_686 = vector.multi_reduction <maximumf>, %reshape3A_684, %reduce_max3A_685 [0] : vector<16x8x128xf32> to vector<8x128xf32>
    %max3A_687 = arith.maximumf %max3A_669, %reduce_max3A_686 : vector<8x128xf32>
    %slice3A_688 = vector.extract_strided_slice %add3A_683 {offsets = [0, 0], sizes = [64, 128], strides = [1, 1]} : vector<128x128xf32> to vector<64x128xf32>
    %slice3A_689 = vector.extract_strided_slice %add3A_683 {offsets = [64, 0], sizes = [64, 128], strides = [1, 1]} : vector<128x128xf32> to vector<64x128xf32>
    %add3A_690 = arith.addf %slice3A_688, %slice3A_689 : vector<64x128xf32>
    %get3A_691 = arith.constant 3 : index
    %get3A_692 = arith.constant 64 : index
    %get3A_693 = arith.constant 0 : index
    %get3A_694 = vector.load %arg1[%get3A_691, %get3A_692, %get3A_693] : memref<4x2048x128xf32, #tpu.memory_space<vmem>>, vector<1x64x128xf32>
    %get3A_695 = vector.shape_cast %get3A_694 : vector<1x64x128xf32> to vector<64x128xf32>
    %convert_element_type3A_696 = arith.truncf %get3A_695 : vector<64x128xf32> to vector<64x128xbf16>
    %dot_general3A_697 = arith.constant dense<0.000000e+00> : vector<64x128xf32>
    %dot_general3A_698 = tpu.matmul %convert_element_type3A_696, %convert_element_type3A, %dot_general3A_697 {dimension_numbers = #tpu.dot_dimension_numbers<[1], [0], [0], [1], [0, 0, 1, 1], [], []>, transpose_lhs_hint = false} : vector<64x128xbf16>, vector<128x128xbf16>, vector<64x128xf32> -> vector<64x128xf32>
    %add3A_699 = vector.broadcast %get3A_4 : vector<1x128xf32> to vector<64x128xf32>
    %add3A_700 = arith.addf %dot_general3A_698, %add3A_699 : vector<64x128xf32>
    %add3A_701 = arith.addf %add3A_700, %add3A_690 : vector<64x128xf32>
    %reshape3A_702 = vector.shape_cast %add3A_701 : vector<64x128xf32> to vector<8x8x128xf32>
    %reduce_max3A_703 = arith.constant dense<0xFF800000> : vector<8x128xf32>
    %reduce_max3A_704 = vector.multi_reduction <maximumf>, %reshape3A_702, %reduce_max3A_703 [0] : vector<8x8x128xf32> to vector<8x128xf32>
    %max3A_705 = arith.maximumf %max3A_687, %reduce_max3A_704 : vector<8x128xf32>
    %slice3A_706 = vector.extract_strided_slice %add3A_701 {offsets = [0, 0], sizes = [32, 128], strides = [1, 1]} : vector<64x128xf32> to vector<32x128xf32>
    %slice3A_707 = vector.extract_strided_slice %add3A_701 {offsets = [32, 0], sizes = [32, 128], strides = [1, 1]} : vector<64x128xf32> to vector<32x128xf32>
    %add3A_708 = arith.addf %slice3A_706, %slice3A_707 : vector<32x128xf32>
    %get3A_709 = arith.constant 3 : index
    %get3A_710 = arith.constant 32 : index
    %get3A_711 = arith.constant 0 : index
    %get3A_712 = vector.load %arg1[%get3A_709, %get3A_710, %get3A_711] : memref<4x2048x128xf32, #tpu.memory_space<vmem>>, vector<1x32x128xf32>
    %get3A_713 = vector.shape_cast %get3A_712 : vector<1x32x128xf32> to vector<32x128xf32>
    %convert_element_type3A_714 = arith.truncf %get3A_713 : vector<32x128xf32> to vector<32x128xbf16>
    %dot_general3A_715 = arith.constant dense<0.000000e+00> : vector<32x128xf32>
    %dot_general3A_716 = tpu.matmul %convert_element_type3A_714, %convert_element_type3A, %dot_general3A_715 {dimension_numbers = #tpu.dot_dimension_numbers<[1], [0], [0], [1], [0, 0, 1, 1], [], []>, transpose_lhs_hint = false} : vector<32x128xbf16>, vector<128x128xbf16>, vector<32x128xf32> -> vector<32x128xf32>
    %add3A_717 = vector.broadcast %get3A_4 : vector<1x128xf32> to vector<32x128xf32>
    %add3A_718 = arith.addf %dot_general3A_716, %add3A_717 : vector<32x128xf32>
    %add3A_719 = arith.addf %add3A_718, %add3A_708 : vector<32x128xf32>
    %reshape3A_720 = vector.shape_cast %add3A_719 : vector<32x128xf32> to vector<4x8x128xf32>
    %reduce_max3A_721 = arith.constant dense<0xFF800000> : vector<8x128xf32>
    %reduce_max3A_722 = vector.multi_reduction <maximumf>, %reshape3A_720, %reduce_max3A_721 [0] : vector<4x8x128xf32> to vector<8x128xf32>
    %max3A_723 = arith.maximumf %max3A_705, %reduce_max3A_722 : vector<8x128xf32>
    %slice3A_724 = vector.extract_strided_slice %add3A_719 {offsets = [0, 0], sizes = [16, 128], strides = [1, 1]} : vector<32x128xf32> to vector<16x128xf32>
    %slice3A_725 = vector.extract_strided_slice %add3A_719 {offsets = [16, 0], sizes = [16, 128], strides = [1, 1]} : vector<32x128xf32> to vector<16x128xf32>
    %add3A_726 = arith.addf %slice3A_724, %slice3A_725 : vector<16x128xf32>
    %get3A_727 = arith.constant 3 : index
    %get3A_728 = arith.constant 16 : index
    %get3A_729 = arith.constant 0 : index
    %get3A_730 = vector.load %arg1[%get3A_727, %get3A_728, %get3A_729] : memref<4x2048x128xf32, #tpu.memory_space<vmem>>, vector<1x16x128xf32>
    %get3A_731 = vector.shape_cast %get3A_730 : vector<1x16x128xf32> to vector<16x128xf32>
    %convert_element_type3A_732 = arith.truncf %get3A_731 : vector<16x128xf32> to vector<16x128xbf16>
    %dot_general3A_733 = arith.constant dense<0.000000e+00> : vector<16x128xf32>
    %dot_general3A_734 = tpu.matmul %convert_element_type3A_732, %convert_element_type3A, %dot_general3A_733 {dimension_numbers = #tpu.dot_dimension_numbers<[1], [0], [0], [1], [0, 0, 1, 1], [], []>, transpose_lhs_hint = false} : vector<16x128xbf16>, vector<128x128xbf16>, vector<16x128xf32> -> vector<16x128xf32>
    %add3A_735 = vector.broadcast %get3A_4 : vector<1x128xf32> to vector<16x128xf32>
    %add3A_736 = arith.addf %dot_general3A_734, %add3A_735 : vector<16x128xf32>
    %add3A_737 = arith.addf %add3A_736, %add3A_726 : vector<16x128xf32>
    %reshape3A_738 = vector.shape_cast %add3A_737 : vector<16x128xf32> to vector<2x8x128xf32>
    %reduce_max3A_739 = arith.constant dense<0xFF800000> : vector<8x128xf32>
    %reduce_max3A_740 = vector.multi_reduction <maximumf>, %reshape3A_738, %reduce_max3A_739 [0] : vector<2x8x128xf32> to vector<8x128xf32>
    %max3A_741 = arith.maximumf %max3A_723, %reduce_max3A_740 : vector<8x128xf32>
    %slice3A_742 = vector.extract_strided_slice %add3A_737 {offsets = [0, 0], sizes = [8, 128], strides = [1, 1]} : vector<16x128xf32> to vector<8x128xf32>
    %slice3A_743 = vector.extract_strided_slice %add3A_737 {offsets = [8, 0], sizes = [8, 128], strides = [1, 1]} : vector<16x128xf32> to vector<8x128xf32>
    %add3A_744 = arith.addf %slice3A_742, %slice3A_743 : vector<8x128xf32>
    %get3A_745 = arith.constant 3 : index
    %get3A_746 = arith.constant 8 : index
    %get3A_747 = arith.constant 0 : index
    %get3A_748 = vector.load %arg1[%get3A_745, %get3A_746, %get3A_747] : memref<4x2048x128xf32, #tpu.memory_space<vmem>>, vector<1x8x128xf32>
    %get3A_749 = vector.shape_cast %get3A_748 : vector<1x8x128xf32> to vector<8x128xf32>
    %convert_element_type3A_750 = arith.truncf %get3A_749 : vector<8x128xf32> to vector<8x128xbf16>
    %dot_general3A_751 = arith.constant dense<0.000000e+00> : vector<8x128xf32>
    %dot_general3A_752 = tpu.matmul %convert_element_type3A_750, %convert_element_type3A, %dot_general3A_751 {dimension_numbers = #tpu.dot_dimension_numbers<[1], [0], [0], [1], [0, 0, 1, 1], [], []>, transpose_lhs_hint = false} : vector<8x128xbf16>, vector<128x128xbf16>, vector<8x128xf32> -> vector<8x128xf32>
    %add3A_753 = vector.broadcast %get3A_4 : vector<1x128xf32> to vector<8x128xf32>
    %add3A_754 = arith.addf %dot_general3A_752, %add3A_753 : vector<8x128xf32>
    %add3A_755 = arith.addf %add3A_754, %add3A_744 : vector<8x128xf32>
    %reshape3A_756 = vector.shape_cast %add3A_755 : vector<8x128xf32> to vector<1x8x128xf32>
    %reduce_max3A_757 = arith.constant dense<0xFF800000> : vector<8x128xf32>
    %reduce_max3A_758 = vector.multi_reduction <maximumf>, %reshape3A_756, %reduce_max3A_757 [0] : vector<1x8x128xf32> to vector<8x128xf32>
    %max3A_759 = arith.maximumf %max3A_741, %reduce_max3A_758 : vector<8x128xf32>
    %slice3A_760 = vector.extract_strided_slice %add3A_755 {offsets = [0, 0], sizes = [4, 128], strides = [1, 1]} : vector<8x128xf32> to vector<4x128xf32>
    %slice3A_761 = vector.extract_strided_slice %add3A_755 {offsets = [4, 0], sizes = [4, 128], strides = [1, 1]} : vector<8x128xf32> to vector<4x128xf32>
    %add3A_762 = arith.addf %slice3A_760, %slice3A_761 : vector<4x128xf32>
    %get3A_763 = arith.constant 3 : index
    %get3A_764 = arith.constant 4 : index
    %get3A_765 = arith.constant 0 : index
    %get3A_766 = vector.load %arg1[%get3A_763, %get3A_764, %get3A_765] : memref<4x2048x128xf32, #tpu.memory_space<vmem>>, vector<1x4x128xf32>
    %get3A_767 = vector.shape_cast %get3A_766 : vector<1x4x128xf32> to vector<4x128xf32>
    %convert_element_type3A_768 = arith.truncf %get3A_767 : vector<4x128xf32> to vector<4x128xbf16>
    %dot_general3A_769 = arith.constant dense<0.000000e+00> : vector<4x128xf32>
    %dot_general3A_770 = tpu.matmul %convert_element_type3A_768, %convert_element_type3A, %dot_general3A_769 {dimension_numbers = #tpu.dot_dimension_numbers<[1], [0], [0], [1], [0, 0, 1, 1], [], []>, transpose_lhs_hint = false} : vector<4x128xbf16>, vector<128x128xbf16>, vector<4x128xf32> -> vector<4x128xf32>
    %add3A_771 = vector.broadcast %get3A_4 : vector<1x128xf32> to vector<4x128xf32>
    %add3A_772 = arith.addf %dot_general3A_770, %add3A_771 : vector<4x128xf32>
    %add3A_773 = arith.addf %add3A_772, %add3A_762 : vector<4x128xf32>
    %reduce_max3A_774 = arith.constant dense<0xFF800000> : vector<128xf32>
    %reduce_max3A_775 = vector.multi_reduction <maximumf>, %add3A_773, %reduce_max3A_774 [0] : vector<4x128xf32> to vector<128xf32>
    %broadcast_in_dim3A_776 = vector.shape_cast %reduce_max3A_775 : vector<128xf32> to vector<1x128xf32>
    %max3A_777 = vector.broadcast %broadcast_in_dim3A_776 : vector<1x128xf32> to vector<8x128xf32>
    %max3A_778 = arith.maximumf %max3A_759, %max3A_777 : vector<8x128xf32>
    %slice3A_779 = vector.extract_strided_slice %add3A_773 {offsets = [0, 0], sizes = [2, 128], strides = [1, 1]} : vector<4x128xf32> to vector<2x128xf32>
    %slice3A_780 = vector.extract_strided_slice %add3A_773 {offsets = [2, 0], sizes = [2, 128], strides = [1, 1]} : vector<4x128xf32> to vector<2x128xf32>
    %add3A_781 = arith.addf %slice3A_779, %slice3A_780 : vector<2x128xf32>
    %get3A_782 = arith.constant 3 : index
    %get3A_783 = arith.constant 2 : index
    %get3A_784 = arith.constant 0 : index
    %get3A_785 = vector.load %arg1[%get3A_782, %get3A_783, %get3A_784] : memref<4x2048x128xf32, #tpu.memory_space<vmem>>, vector<1x2x128xf32>
    %get3A_786 = vector.shape_cast %get3A_785 : vector<1x2x128xf32> to vector<2x128xf32>
    %convert_element_type3A_787 = arith.truncf %get3A_786 : vector<2x128xf32> to vector<2x128xbf16>
    %dot_general3A_788 = arith.constant dense<0.000000e+00> : vector<2x128xf32>
    %dot_general3A_789 = tpu.matmul %convert_element_type3A_787, %convert_element_type3A, %dot_general3A_788 {dimension_numbers = #tpu.dot_dimension_numbers<[1], [0], [0], [1], [0, 0, 1, 1], [], []>, transpose_lhs_hint = false} : vector<2x128xbf16>, vector<128x128xbf16>, vector<2x128xf32> -> vector<2x128xf32>
    %add3A_790 = vector.broadcast %get3A_4 : vector<1x128xf32> to vector<2x128xf32>
    %add3A_791 = arith.addf %dot_general3A_789, %add3A_790 : vector<2x128xf32>
    %add3A_792 = arith.addf %add3A_791, %add3A_781 : vector<2x128xf32>
    %reduce_max3A_793 = arith.constant dense<0xFF800000> : vector<128xf32>
    %reduce_max3A_794 = vector.multi_reduction <maximumf>, %add3A_792, %reduce_max3A_793 [0] : vector<2x128xf32> to vector<128xf32>
    %broadcast_in_dim3A_795 = vector.shape_cast %reduce_max3A_794 : vector<128xf32> to vector<1x128xf32>
    %max3A_796 = vector.broadcast %broadcast_in_dim3A_795 : vector<1x128xf32> to vector<8x128xf32>
    %max3A_797 = arith.maximumf %max3A_778, %max3A_796 : vector<8x128xf32>
    %slice3A_798 = vector.extract_strided_slice %add3A_792 {offsets = [0, 0], sizes = [1, 128], strides = [1, 1]} : vector<2x128xf32> to vector<1x128xf32>
    %slice3A_799 = vector.extract_strided_slice %add3A_792 {offsets = [1, 0], sizes = [1, 128], strides = [1, 1]} : vector<2x128xf32> to vector<1x128xf32>
    %add3A_800 = arith.addf %slice3A_798, %slice3A_799 : vector<1x128xf32>
    %get3A_801 = arith.constant 3 : index
    %get3A_802 = arith.constant 1 : index
    %get3A_803 = arith.constant 0 : index
    %get3A_804 = vector.load %arg1[%get3A_801, %get3A_802, %get3A_803] : memref<4x2048x128xf32, #tpu.memory_space<vmem>>, vector<1x1x128xf32>
    %get3A_805 = vector.shape_cast %get3A_804 : vector<1x1x128xf32> to vector<1x128xf32>
    %convert_element_type3A_806 = arith.truncf %get3A_805 : vector<1x128xf32> to vector<1x128xbf16>
    %dot_general3A_807 = arith.constant dense<0.000000e+00> : vector<1x128xf32>
    %dot_general3A_808 = tpu.matmul %convert_element_type3A_806, %convert_element_type3A, %dot_general3A_807 {dimension_numbers = #tpu.dot_dimension_numbers<[1], [0], [0], [1], [0, 0, 1, 1], [], []>, transpose_lhs_hint = false} : vector<1x128xbf16>, vector<128x128xbf16>, vector<1x128xf32> -> vector<1x128xf32>
    %add3A_809 = arith.addf %dot_general3A_808, %get3A_4 : vector<1x128xf32>
    %add3A_810 = arith.addf %add3A_809, %add3A_800 : vector<1x128xf32>
    %reduce_max3A_811 = arith.constant dense<0xFF800000> : vector<128xf32>
    %reduce_max3A_812 = vector.multi_reduction <maximumf>, %add3A_810, %reduce_max3A_811 [0] : vector<1x128xf32> to vector<128xf32>
    %broadcast_in_dim3A_813 = vector.shape_cast %reduce_max3A_812 : vector<128xf32> to vector<1x128xf32>
    %max3A_814 = vector.broadcast %broadcast_in_dim3A_813 : vector<1x128xf32> to vector<8x128xf32>
    %max3A_815 = arith.maximumf %max3A_797, %max3A_814 : vector<8x128xf32>
    %reduce_max3A_816 = arith.constant dense<0xFF800000> : vector<128xf32>
    %reduce_max3A_817 = vector.multi_reduction <maximumf>, %max3A_815, %reduce_max3A_816 [0] : vector<8x128xf32> to vector<128xf32>
    %broadcast_in_dim3A_818 = vector.shape_cast %reduce_max3A_817 : vector<128xf32> to vector<1x128xf32>
    %swap3A_819 = arith.constant 3 : index
    %swap3A_820 = arith.constant 0 : index
    %swap3A_821 = arith.constant 0 : index
    %swap3A_822 = vector.load %arg4[%swap3A_819, %swap3A_820, %swap3A_821] : memref<4x1x128xf32, #tpu.memory_space<vmem>>, vector<1x1x128xf32>
    %swap3A_823 = vector.shape_cast %swap3A_822 : vector<1x1x128xf32> to vector<1x128xf32>
    %swap3A_824 = vector.shape_cast %broadcast_in_dim3A_818 : vector<1x128xf32> to vector<1x1x128xf32>
    tpu.vector_store %arg4[%swap3A_819, %swap3A_820, %swap3A_821], %swap3A_824 {strides = array<i32>} : memref<4x1x128xf32, #tpu.memory_space<vmem>>, vector<1x1x128xf32>,
    return
  }
  func.func @transform_0(%arg0: i32) -> (i32, i32, i32) {
    %c0_i32 = arith.constant 0 : i32
    %c0_i32_0 = arith.constant 0 : i32
    %c0_i32_1 = arith.constant 0 : i32
    return %arg0, %c0_i32, %c0_i32_0 : i32, i32, i32
  }
  func.func @transform_1(%arg0: i32) -> (i32, i32) {
    %c0_i32 = arith.constant 0 : i32
    %c0_i32_0 = arith.constant 0 : i32
    %c0_i32_1 = arith.constant 0 : i32
    return %c0_i32, %c0_i32_0 : i32, i32
  }
  func.func @transform_2(%arg0: i32) -> (i32, i32) {
    %c0_i32 = arith.constant 0 : i32
    %c0_i32_0 = arith.constant 0 : i32
    %c0_i32_1 = arith.constant 0 : i32
    return %c0_i32, %c0_i32_0 : i32, i32
  }
  func.func @transform_3(%arg0: i32) -> (i32, i32, i32) {
    %c0_i32 = arith.constant 0 : i32
    %c0_i32_0 = arith.constant 0 : i32
    %c0_i32_1 = arith.constant 0 : i32
    return %arg0, %c0_i32, %c0_i32_0 : i32, i32, i32
  }
}

</mosaic_0001>

<sc_bundles>
// kernel: kernel.4.cloned.1.call-start
scs
__scs_entry_jumppad:
0x0: {  	(pc) =	sbr.rel $0x88, $3  }
0x1: {  	(tag) =	ssettag $0x0;
	lr =	simm.s32 $0x1  }
0x2: {  	[smem:$0x3F9D] =	sst lr;
	_ =	strace $0xD0000000  }
0x3: {  	_ = 	snop  }
0x4: {  	_ = 	snop  }
0x5: {  	_ = 	snop  }
0x6: {  	_ = 	snop  }
0x7: {  	_ = 	snop  }
__scs_overlays_trampoline_lowered:
0x8: {  	[smem:$0x3FAC] =	sst s0  }
0x9: {  	[smem:$0x3FAD] =	sst s1  }
0xa: {  	[smem:$0x3FAE] =	sst s2  }
0xb: {  	[smem:$0x3FAF] =	sst s3  }
0xc: {  	[smem:$0x3FB0] =	sst s4  }
0xd: {  	[smem:$0x3FB1] =	sst s5  }
0xe: {  	[smem:$0x3FB2] =	sst s6  }
0xf: {  	[smem:$0x3FB3] =	sst s7  }
0x10: {  	[smem:$0x3FB4] =	sst s8  }
0x11: {  	[smem:$0x3FB5] =	sst s9;
	s0 =	simm.s32 @!p0 $0x0  }
0x12: {  	s1 =	sld [smem:$0x3F9B];
	s0 =	simm.s32 @p0 $0x1  }
0x13: {  	[smem:$0x3FB6] =	sst s0;
	s0 =	simm.s32 @!p1 $0x0  }
0x14: {  	s2 =	sld [smem:$0x3F9A];
	s0 =	simm.s32 @p1 $0x1  }
0x15: {  	[smem:$0x3FB7] =	sst s0;
	s0 =	simm.s32 @!p2 $0x0  }
0x16: {  	s3 =	sld [smem:$0x3FDB];
	s0 =	simm.s32 @p2 $0x1  }
0x17: {  	s4 =	simm.s32 $0x1BF5;
	[smem:$0x3FB9] =	sst s0  }
0x18: {  	s0 =	sld [smem:$0x3F9C];
	_ =	swait.ge [sflag:s4], $0x0  }
0x19: {  	s7 =	sld [smem:$0x3F9D]  }
0x1a: {  	s8 =	sadd.s32 $0xFFFFE003, lr  }
0x1b: {  	s9 =	sadd.s32 $0xFFFFFEF7, lr;
	s5 =	simm.s32 $0xFFFFFFFF;
	p2 =	slt.u32 s8, $0xFFFFF086  }
0x1c: {  	p1 =	slt.u32 s9, $0xF7A;
	s5 =	simm.s32 @!p2 $0x0  }
0x1d: {  	s5 =	simm.s32 @p1 $0x1;
	p0 =	seq.s32 s7, s2  }
0x1e: {  	s7 =	smul.u32 @!p0 $0xF7A, s2;
	p2 =	seq.s32 @!p0 s5, $0x0  }
0x1f: {  	s9 =	smul.u32 $0xF7A, s1;
	s8 =	simm.s32 @!p0 $0x1BF5;
	p2 =	por !p2, p0  }
0x20: {  	[sflag:s8] =	ssyncset.s32 @!p0 $0xFFFFF086;
	s6 =	sadd.s32 @!p0 s3, s7;
	s7 =	simm.s32 @!p0 $0x108  }
0x21: {  	s3 =	sadd.s32 s3, s9;
	s6 =	sadd.s32 @!p0 $0x88, s6;
	s7 =	simm.s32 @p2 $0x1082  }
0x22: {  	[simem:s7], [sflag:s8] =	dma.local @!p0 [hbm:s6], $0xF7A  }
0x23: {  	s9 =	sor.u32 $0xD0000000, s2;
	s6 =	simm.s32 $0x108;
	_ =	swait.ge @!p0 [sflag:s8], $0x0  }
0x24: {  	s3 =	sadd.s32 $0x88, s3;
	s6 =	simm.s32 @!p1 $0x1082;
	[sflag:s4] =	ssyncset.s32 $0xFFFFF086  }
0x25: {  	[simem:s6], [sflag:s4] =	dma.local [hbm:s3], $0xF7A  }
0x26: {  	[smem:$0x3F9D] =	sst s1;
	(tag) =	ssettag s2;
	_ =	strace s9  }
0x27: {  	s1 =	sld [smem:$0x3FAD]  }
0x28: {  	s2 =	sld [smem:$0x3FAE]  }
0x29: {  	s4 =	sld [smem:$0x3FB0]  }
0x2a: {  	p0 =	seq.s32 s5, $0x0;
	s5 =	sld [smem:$0x3FB1]  }
0x2b: {  	s6 =	sld [smem:$0x3FB2]  }
0x2c: {  	s7 =	sld [smem:$0x3FB3]  }
0x2d: {  	s3 =	simm.s32 $0x108;
	s8 =	sld [smem:$0x3FB4]  }
0x2e: {  	s3 =	simm.s32 @!p0 $0x1082;
	s9 =	sld [smem:$0x3FB5]  }
0x2f: {  	lr =	sadd.s32 s0, s3;
	s0 =	sld [smem:$0x3FAC]  }
0x30: {  	s3 =	sld [smem:$0x3FAF]  }
0x31: {  	[smem:$0x3FB8] =	sst s10  }
0x32: {  	s10 =	sld [smem:$0x3FB6];
	_ =	sdelay $0x3  }
0x33: {  	p0 =	seq.s32 s10, $0x1;
	s10 =	sld [smem:$0x3FB8];
	_ =	sdelay $0x3  }
0x34: {  	[smem:$0x3FB8] =	sst s10  }
0x35: {  	s10 =	sld [smem:$0x3FB7];
	_ =	sdelay $0x3  }
0x36: {  	p1 =	seq.s32 s10, $0x1;
	s10 =	sld [smem:$0x3FB8];
	_ =	sdelay $0x3  }
0x37: {  	[smem:$0x3FB8] =	sst s10  }
0x38: {  	s10 =	sld [smem:$0x3FB9]  }
0x39: {  	_ = 	snop;
	(pc) =	sbr.ind lr, $3  }
0x3a: {  	_ = 	snop  }
0x3b: {  	_ = 	snop  }
0x3c: {  	p2 =	seq.s32 s10, $0x1;
	s10 =	sld [smem:$0x3FB8]  }
0x3d: {  	_ =	shalt  }
0x3e: {  	_ =	shalt  }
0x3f: {  	_ =	shalt  }
0x40: {  	_ =	shalt  }
0x41: {  	_ =	shalt  }
0x42: {  	_ =	shalt  }
0x43: {  	_ =	shalt  }
0x44: {  	_ =	shalt  }
0x45: {  	_ =	shalt  }
0x46: {  	_ =	shalt  }
0x47: {  	_ =	shalt  }
0x48: {  	_ =	shalt  }
0x49: {  	_ =	shalt  }
0x4a: {  	_ =	shalt  }
0x4b: {  	_ =	shalt  }
0x4c: {  	_ =	shalt  }
0x4d: {  	_ =	shalt  }
0x4e: {  	_ =	shalt  }
0x4f: {  	_ =	shalt  }
0x50: {  	_ =	shalt  }
0x51: {  	_ =	shalt  }
0x52: {  	_ =	shalt  }
0x53: {  	_ =	shalt  }
0x54: {  	_ =	shalt  }
0x55: {  	_ =	shalt  }
0x56: {  	_ =	shalt  }
0x57: {  	_ =	shalt  }
0x58: {  	_ =	shalt  }
0x59: {  	_ =	shalt  }
0x5a: {  	_ =	shalt  }
0x5b: {  	_ =	shalt  }
0x5c: {  	_ =	shalt  }
0x5d: {  	_ =	shalt  }
0x5e: {  	_ =	shalt  }
0x5f: {  	_ =	shalt  }
0x60: {  	_ =	shalt  }
0x61: {  	_ =	shalt  }
0x62: {  	_ =	shalt  }
0x63: {  	_ =	shalt  }
0x64: {  	_ =	shalt  }
0x65: {  	_ =	shalt  }
0x66: {  	_ =	shalt  }
0x67: {  	_ =	shalt  }
0x68: {  	_ =	shalt  }
0x69: {  	_ =	shalt  }
0x6a: {  	_ =	shalt  }
0x6b: {  	_ =	shalt  }
0x6c: {  	_ =	shalt  }
0x6d: {  	_ =	shalt  }
0x6e: {  	_ =	shalt  }
0x6f: {  	_ =	shalt  }
0x70: {  	_ =	shalt  }
0x71: {  	_ =	shalt  }
0x72: {  	_ =	shalt  }
0x73: {  	_ =	shalt  }
0x74: {  	_ =	shalt  }
0x75: {  	_ =	shalt  }
0x76: {  	_ =	shalt  }
0x77: {  	_ =	shalt  }
0x78: {  	_ =	shalt  }
0x79: {  	_ =	shalt  }
0x7a: {  	_ =	shalt  }
0x7b: {  	_ =	shalt  }
0x7c: {  	_ =	shalt  }
0x7d: {  	_ =	shalt  }
0x7e: {  	_ =	shalt  }
0x7f: {  	_ =	shalt  }
0x80: {  	_ =	shalt  }
0x81: {  	_ =	shalt  }
0x82: {  	_ =	shalt  }
0x83: {  	_ =	shalt  }
0x84: {  	_ =	shalt  }
0x85: {  	_ =	shalt  }
0x86: {  	_ =	shalt  }
0x87: {  	_ =	shalt  }
.Lfunc_end0:
.L_simem_size_0:
called_computation_lowered:
.L_overlay_start_0:
0x88: {  	s2 =	sld [smem:$0x3FD9]  }
0x89: {  	s3 =	sld [smem:$0x3FFE];
	_ =	sdelay $0x1  }
0x8a: {  	s1 =	srdreg.scid  }
0x8b: {  	s0 =	sand.u32 $0x1, s1  }
0x8c: {  	s17 =	sshll.u32 s0, $0xA;
	s2 =	sadd.s32 s3, s2  }
0x8d: {  	s2 =	sadd.s32 s2, s17  }
0x8e: {  	[smem:$0x3FC4] =	sst s2  }
0x8f: {  	_ = 	snop  }
0x90: {  	s2 =	sld [smem:$0x3FC9]  }
0x91: {  	s18 =	sld [smem:$0x3FC8];
	(tm) =	ssettm $0x1  }
0x92: {  	s4 =	sld [smem:$0x3FFB];
	_ =	sdelay $0x3  }
0x93: {  	_ =	strace s4  }
0x94: {  	s4 =	sld [smem:$0x3FFC];
	_ =	sdelay $0x3  }
0x95: {  	_ =	strace s4  }
0x96: {  	s4 =	sld [smem:$0x3FFD];
	_ =	sdelay $0x3  }
0x97: {  	_ =	strace s4  }
0x98: {  	_ =	strace $0x8FFFFFFF  }
0x99: {  	s19 =	sld [smem:$0x3FDB];
	_ =	sdelay $0x1  }
0x9a: {  	s5 =	simm.s32 $_scs_section_size  }
0x9b: {  	s6 =	simm.s32 $_size__tile_overlayer_lowered;
	s7 =	simm.s32 $_tile_overlayer_lowered  }
0x9c: {  	s22 =	simm.s32 $0x1BFF;
	s21 =	sshll.u32 s7, $0x1;
	s4 =	sadd.s32 s5, s19  }
0x9d: {  	s8 =	simm.s32 $0x0;
	s20 =	sshll.u32 s6, $0x1;
	s6 =	sadd.s32 s21, s4  }
0x9e: {  	[timem:s8], [sflag:s22] =	dma.local [hbm:s6], s20  }
0x9f: {  	_ =	swait.ge [sflag:s22], s20  }
0xa0: {  	s5 =	ssub.s32 $0x0, s20;
	[sflag:s22] =	ssyncset.done $0x0  }
0xa1: {  	[sflag:s22] =	ssyncadd.s32 s5;
	_ =	sdelay $0x1  }
0xa2: {  	s23 =	simm.s32 $0x1B8B  }
0xa3: {  	_ =	swait.ge [sflag:s23], $0x1  }
0xa4: {  	[sflag:s23] =	ssyncset.done $0x0  }
0xa5: {  	s25 =	simm.s32 $0x1B8E;
	s24 =	sld [smem:$0x3FFE];
	[sflag:s23] =	ssyncadd.s32 $0xFFFFFFFF  }
0xa6: {  	s26 =	simm.s32 $execute0_lowered;
	[smem:$0x3FD2] =	sst s25  }
0xa7: {  	s6 =	sshll.u32 s26, $0x1;
	_ =	strace $0x80000046;
	[dreg:$0x1] =	wrdreg $0xFFFFFFFF  }
0xa8: {  	s28 =	simm.s32 $_size_execute0_lowered;
	s4 =	sadd.s32 s4, s6;
	[dreg:$0x0] =	wrdreg $0x0  }
0xa9: {  	s6 =	sshll.u32 s28, $0x1;
	[dreg:$0x2] =	wrdreg s4  }
0xaa: {  	[dreg:$0x3] =	wrdreg s6  }
0xab: {  	[dreg:$0x4] =	wrdreg $0xC0  }
0xac: {  	_ =	task [dreg:s8], $0x5FFFF  }
0xad: {  	[dreg:$0x1] =	wrdreg $0xFFFFFFFF  }
0xae: {  	[dreg:$0x0] =	wrdreg $0x60  }
0xaf: {  	[dreg:$0x2] =	wrdreg s2  }
0xb0: {  	[dreg:$0x3] =	wrdreg s24  }
0xb1: {  	[dreg:$0x4] =	wrdreg s18  }
0xb2: {  	[dreg:$0x5] =	wrdreg $0x9  }
0xb3: {  	_ =	task.clear_ibuf [dreg:s8], $0x6FFFF;
	_ =	strace $0x90000046  }
0xb4: {  	s29 =	simm.s32 $0x9;
	_ =	strace $0x80000048  }
0xb5: {  	_ =	swait.ge [sflag:s29], $0x1  }
0xb6: {  	[sflag:s29] =	ssyncadd.s32 $0xFFFFFFFF  }
0xb7: {  	_ =	strace $0x90000048  }
0xb8: {  	_ =	sfence  }
0xb9: {  	s30 =	sld [smem:$0x0];
	_ =	sdelay $0x2  }
0xba: {  	s31 =	sshll.u32 s1, $0xD;
	s1 =	sshrl.u32 s1, $0x2  }
0xbb: {  	s3 =	sand.u32 $0x4000, s31;
	s1 =	sadd.s32 s1, s30  }
0xbc: {  	s0 =	sor.u32 s3, s0;
	s1 =	sshll.u32 s1, $0x11  }
0xbd: {  	s0 =	sor.u32 s1, s0  }
0xbe: {  	s0 =	sadd.s32 $0x8F2B, s0  }
0xbf: {  	[sflag:s0] =	ssyncadd.remote.s32 $0x1  }
0xc0: {  	_ =	sfence.sel $0xFFFF  }
0xc1: {  	[dreg:$0x0] =	wrdreg $0xFFFFFFFF;
	(pc) =	sbr.abs _section_cstart, $3  }
0xc2: {  	[dreg:$0x1] =	wrdreg $0xFFFFFFFF  }
0xc3: {  	_ =	task.clear_ibuf [dreg:s8], $0x2FFFF;
	_ =	strace $0x9FFFFFFF  }
0xc4: {  	(tm) =	ssettm $0x7FFFFFFF  }
0xc5: {  	_ =	shalt  }
tec
execute0_lowered:
.L_overlay_start_1:
0x0: {  	(tag) =	ssettag $0x1  }
0x1: {  	s1 =	srdreg.scid  }
0x2: {  	s0 =	stileid.u32;
	s5 =	rddreg [dreg:$0x0]  }
0x3: {  	s14 =	rddreg [dreg:$0x1];
	s6 =	simm.s32 $0x1;
	s3 =	simm.s32 $0x0  }
0x4: {  	s13 =	simm.s32 $0x100;
	s15 =	simm.s32 $0x180;
	s16 =	simm.s32 $0x200  }
0x5: {  	s1 =	sand.u32 $0x1, s1;
	s2 =	sshll.u32 s0, $0x1;
	[smem:$0x7FF] =	sst s3  }
0x6: {  	s17 =	simm.s32 $0x280;
	s4 =	sor.u32 s1, s2;
	s2 =	rddreg [dreg:$0x2]  }
0x7: {  	s18 =	simm.s32 $0x480;
	_ =	strace $0x80000047;
	[dreg:$0x6] =	wrdreg s13  }
0x8: {  	s19 =	simm.s32 $0x300;
	s20 =	simm.s32 $0x500;
	[dreg:$0x7] =	wrdreg s15  }
0x9: {  	p0 =	seq.s32 s1, $0x1;
	[dreg:$0x8] =	wrdreg s16;
	p1 =	seq.s32 s4, $0x0  }
0xa: {  	[dreg:$0x9] =	wrdreg s17;
	s4 =	sshll.u32 s4, $0x7;
	p0 =	por !p1, !p0  }
0xb: {  	[dreg:$0xa] =	wrdreg s18;
	s4 =	sadd.s32 s4, s14;
	p0 =	por !p0, !p0  }
0xc: {  	[dreg:$0xb] =	wrdreg s19;
	s4 =	sadd.s32 $0xA00, s4;
	s6 =	simm.s32 @!p0 $0x0  }
0xd: {  	s7 =	sshll.u32 s1, $0xE;
	[dreg:$0x4] =	wrdreg s4;
	s6 =	ssub.s32 s0, s6  }
0xe: {  	s4 =	simm.s32 $0x400;
	s22 =	rddreg [dreg:$0x4];
	s8 =	sshll.u32 s6, $0xA  }
0xf: {  	[tilespmem:s4], [sflag:$0x1] =	stream.linear.gather [hbm4b:s22+s3], $0x400, $0x38;
	[tilespmem:$0x18800] =	vst v63  }
0x10: {  	s21 =	simm.s32 $0x380;
	[dreg:$0xc] =	wrdreg s20;
	s7 =	sadd.s32 s7, s8  }
0x11: {  	s23 =	simm.s32 $0x580;
	[dreg:$0xd] =	wrdreg s21;
	s7 =	sshrl.u32 s7, $0x3  }
0x12: {  	[dreg:$0xe] =	wrdreg s23;
	s12 =	sadd.s32 s5, s7  }
0x13: {  	[dreg:$0x5] =	wrdreg s12  }
0x14: {  	s5 =	simm.s32 $0xE;
	s24 =	rddreg [dreg:$0x5]  }
0x15: {  	[tilespmem:s3], [sflag:$0xE] =	stream.linear.gather [hbm4b:s24+s3], $0x400, $0x38;
	[tilespmem:$0x18800] =	vst v63  }
0x16: {  	_ =	swait.ge [sflag:s5], $0x400  }
0x17: {  	[sflag:s5] =	ssyncset.done $0x0  }
0x18: {  	p0 =	sne.s32 s6, $0xF;
	[sflag:s5] =	ssyncadd.s32 $0xFFFFFC00  }
0x19: {  	v0 =	vld @!p0 [tilespmem:$0x3F0]  }
0x1a: {  	v1 =	vld @!p0 [tilespmem:$0x370]  }
0x1b: {  	v2 =	vld @!p0 [tilespmem:$0x2F0]  }
0x1c: {  	v3 =	vlaneseq.u32 @!p0;
	v4 =	vld @!p0 [tilespmem:$0x270]  }
0x1d: {  	vm0 =	veq.s32 @!p0 v3, $0xF;
	v3 =	vld @!p0 [tilespmem:$0x1F0]  }
0x1e: {  	v5 =	vld @!p0 [tilespmem:$0x170];
	v0 =	vsel @!p0 vm0, $0x0, v0  }
0x1f: {  	v6 =	vld @!p0 [tilespmem:$0xF0];
	v1 =	vsel @!p0 vm0, $0x0, v1;
	[tilespmem:$0x3F0] =	vst @!p0 v0  }
0x20: {  	v2 =	vsel @!p0 vm0, $0x0, v2;
	v0 =	vld @!p0 [tilespmem:$0x70];
	[tilespmem:$0x370] =	vst @!p0 v1  }
0x21: {  	v1 =	vsel @!p0 vm0, $0x0, v4;
	[tilespmem:$0x2F0] =	vst @!p0 v2  }
0x22: {  	v2 =	vsel @!p0 vm0, $0x0, v3;
	[tilespmem:$0x270] =	vst @!p0 v1  }
0x23: {  	v1 =	vsel @!p0 vm0, $0x0, v5;
	[tilespmem:$0x1F0] =	vst @!p0 v2  }
0x24: {  	v2 =	vsel @!p0 vm0, $0x0, v6;
	[tilespmem:$0x170] =	vst @!p0 v1  }
0x25: {  	[tilespmem:$0xF0] =	vst @!p0 v2;
	v0 =	vsel @!p0 vm0, $0x0, v0  }
0x26: {  	s6 =	simm.s32 $0x1;
	[tilespmem:$0x70] =	vst @!p0 v0  }
0x27: {  	_ =	swait.ge [sflag:s6], $0x400  }
0x28: {  	[sflag:s6] =	ssyncset.done $0x0  }
0x29: {  	s8 =	simm.s32 $0x800;
	s7 =	simm.s32 $0x80;
	[sflag:s6] =	ssyncadd.s32 $0xFFFFFC00  }
0x2a: {  	[tilespmem:s8], [sflag:$0x2] =	stream.indirect.gather [hbm4b:s2+s7], $0x80, s3, s7, $0xb8;
	[tilespmem:$0x18800] =	vst v63  }
0x2b: {  	s9 =	simm.s32 $0x4800  }
0x2c: {  	[tilespmem:s9], [sflag:$0x3] =	stream.indirect.gather [hbm4b:s2+s7], $0x80, s7, s7, $0xb8;
	[tilespmem:$0x18800] =	vst v63  }
0x2d: {  	s10 =	simm.s32 $0x8800;
	s11 =	rddreg [dreg:$0x6]  }
0x2e: {  	[tilespmem:s10], [sflag:$0x4] =	stream.indirect.gather [hbm4b:s2+s7], $0x80, s11, s7, $0xb8;
	[tilespmem:$0x18800] =	vst v63  }
0x2f: {  	s12 =	rddreg [dreg:$0x7];
	s11 =	simm.s32 $0xC800  }
0x30: {  	[tilespmem:s11], [sflag:$0x5] =	stream.indirect.gather [hbm4b:s2+s7], $0x80, s12, s7, $0xb8;
	[tilespmem:$0x18800] =	vst v63  }
0x31: {  	s13 =	simm.s32 $0x2;
	s15 =	rddreg [dreg:$0x8];
	s12 =	simm.s32 $0x10800  }
0x32: {  	[tilespmem:s12], [sflag:$0x6] =	stream.indirect.gather [hbm4b:s2+s7], $0x80, s15, s7, $0xb8;
	[tilespmem:$0x18800] =	vst v63  }
0x33: {  	_ =	swait.ge [sflag:s13], $0x4000  }
0x34: {  	[sflag:s13] =	ssyncset.done $0x0  }
0x35: {  	s14 =	sadd.s32 $0x1A00, s14;
	[sflag:s13] =	ssyncadd.s32 $0xFFFFC000  }
0x36: {  	[hbm4b:s14+s7] =	stream.indirect.scatter [tilespmem:s8], [sflag:$0x8], $0x80, s4, s7, $0xb8;
	[tilespmem:$0x18800] =	vst v63  }
0x37: {  	s17 =	simm.s32 $0x3;
	s15 =	simm.s32 $0x14800;
	s16 =	rddreg [dreg:$0x9]  }
0x38: {  	[tilespmem:s15], [sflag:$0x7] =	stream.indirect.gather [hbm4b:s2+s7], $0x80, s16, s7, $0xb8;
	[tilespmem:$0x18800] =	vst v63  }
0x39: {  	_ =	swait.ge [sflag:s17], $0x4000  }
0x3a: {  	[sflag:s17] =	ssyncset.done $0x0  }
0x3b: {  	s16 =	simm.s32 $0x8;
	s18 =	rddreg [dreg:$0xa];
	[sflag:s17] =	ssyncadd.s32 $0xFFFFC000  }
0x3c: {  	[hbm4b:s14+s7] =	stream.indirect.scatter [tilespmem:s9], [sflag:$0x9], $0x80, s18, s7, $0xb8;
	[tilespmem:$0x18800] =	vst v63  }
0x3d: {  	_ =	swait.ge [sflag:s16], $0x4000  }
0x3e: {  	[sflag:s16] =	ssyncset.done $0x0  }
0x3f: {  	s19 =	simm.s32 $0x4;
	s25 =	rddreg [dreg:$0xb];
	[sflag:s16] =	ssyncadd.s32 $0xFFFFC000  }
0x40: {  	[tilespmem:s8], [sflag:$0x2] =	stream.indirect.gather [hbm4b:s2+s7], $0x80, s25, s7, $0xb8;
	[tilespmem:$0x18800] =	vst v63  }
0x41: {  	_ =	swait.ge [sflag:s19], $0x4000  }
0x42: {  	[sflag:s19] =	ssyncset.done $0x0  }
0x43: {  	s18 =	simm.s32 $0x9;
	s20 =	rddreg [dreg:$0xc];
	[sflag:s19] =	ssyncadd.s32 $0xFFFFC000  }
0x44: {  	[hbm4b:s14+s7] =	stream.indirect.scatter [tilespmem:s10], [sflag:$0xA], $0x80, s20, s7, $0xb8;
	[tilespmem:$0x18800] =	vst v63  }
0x45: {  	_ =	swait.ge [sflag:s18], $0x4000  }
0x46: {  	[sflag:s18] =	ssyncset.done $0x0  }
0x47: {  	s20 =	simm.s32 $0x5;
	s21 =	rddreg [dreg:$0xd];
	[sflag:s18] =	ssyncadd.s32 $0xFFFFC000  }
0x48: {  	[tilespmem:s9], [sflag:$0x3] =	stream.indirect.gather [hbm4b:s2+s7], $0x80, s21, s7, $0xb8;
	[tilespmem:$0x18800] =	vst v63  }
0x49: {  	_ =	swait.ge [sflag:s20], $0x4000  }
0x4a: {  	[sflag:s20] =	ssyncset.done $0x0  }
0x4b: {  	s21 =	simm.s32 $0x6;
	s22 =	rddreg [dreg:$0xe];
	[sflag:s20] =	ssyncadd.s32 $0xFFFFC000  }
0x4c: {  	[hbm4b:s14+s7] =	stream.indirect.scatter [tilespmem:s11], [sflag:$0xB], $0x80, s22, s7, $0xb8;
	[tilespmem:$0x18800] =	vst v63  }
0x4d: {  	_ =	swait.ge [sflag:s21], $0x4000  }
0x4e: {  	[sflag:s21] =	ssyncset.done $0x0  }
0x4f: {  	s26 =	simm.s32 $0x600;
	s23 =	simm.s32 $0x7;
	[sflag:s21] =	ssyncadd.s32 $0xFFFFC000  }
0x50: {  	[hbm4b:s14+s7] =	stream.indirect.scatter [tilespmem:s12], [sflag:$0xC], $0x80, s26, s7, $0xb8;
	[tilespmem:$0x18800] =	vst v63  }
0x51: {  	_ =	swait.ge [sflag:s23], $0x4000  }
0x52: {  	[sflag:s23] =	ssyncset.done $0x0  }
0x53: {  	s24 =	simm.s32 $0x680;
	[sflag:s23] =	ssyncadd.s32 $0xFFFFC000  }
0x54: {  	[hbm4b:s14+s7] =	stream.indirect.scatter [tilespmem:s15], [sflag:$0xD], $0x80, s24, s7, $0xb8;
	[tilespmem:$0x18800] =	vst v63  }
0x55: {  	_ =	swait.ge [sflag:s13], $0x4000  }
0x56: {  	[sflag:s13] =	ssyncset.done $0x0  }
0x57: {  	s25 =	simm.s32 $0x700;
	[sflag:s13] =	ssyncadd.s32 $0xFFFFC000  }
0x58: {  	[hbm4b:s14+s7] =	stream.indirect.scatter [tilespmem:s8], [sflag:$0x8], $0x80, s25, s7, $0xb8;
	[tilespmem:$0x18800] =	vst v63  }
0x59: {  	_ =	swait.ge [sflag:s17], $0x4000  }
0x5a: {  	s28 =	simm.s32 $0xA;
	[sflag:s17] =	ssyncset.done $0x0  }
0x5b: {  	s1 =	ssub.s32 $0x2, s1;
	s26 =	simm.s32 $0x780;
	[sflag:s17] =	ssyncadd.s32 $0xFFFFC000  }
0x5c: {  	[hbm4b:s14+s7] =	stream.indirect.scatter [tilespmem:s9], [sflag:$0x9], $0x80, s26, s7, $0xb8;
	[tilespmem:$0x18800] =	vst v63  }
0x5d: {  	s30 =	sshrl.u32 s1, $0x1;
	_ =	swait.ge [sflag:s28], $0x4000  }
0x5e: {  	s1 =	ssub.s32 s1, s30;
	[sflag:s28] =	ssyncset.done $0x0  }
0x5f: {  	s29 =	simm.s32 $0xB;
	s1 =	smax.u32 s1, $0x1;
	[sflag:s28] =	ssyncadd.s32 $0xFFFFC000  }
0x60: {  	s31 =	sadd.s32 $0xFFFFFFFF, s1;
	_ =	swait.ge [sflag:s29], $0x4000  }
0x61: {  	p1 =	sne.s32 s31, $0x0;
	[sflag:s29] =	ssyncset.done $0x0  }
.Ltmp0:
0x62: {  	s30 =	simm.s32 $0xC;
	[sflag:s29] =	ssyncadd.s32 $0xFFFFC000;
	(pc) =	sbr.rel @!p1 .LBB2_2-.Ltmp0, $4  }
0x63: {  	_ =	swait.ge [sflag:s30], $0x4000  }
0x64: {  	[sflag:s30] =	ssyncset.done $0x0  }
0x65: {  	s1 =	simm.s32 $0xD;
	[sflag:s30] =	ssyncadd.s32 $0xFFFFC000  }
0x66: {  	_ =	swait.ge [sflag:s1], $0x4000  }
.LBB2_1:
0x67: {  	[sflag:s1] =	ssyncset.done $0x0  }
0x68: {  	[sflag:s1] =	ssyncadd.s32 $0xFFFFC000  }
0x69: {  	_ =	swait.ge [sflag:s16], $0x4000  }
0x6a: {  	[sflag:s16] =	ssyncset.done $0x0  }
0x6b: {  	[sflag:s16] =	ssyncadd.s32 $0xFFFFC000  }
0x6c: {  	_ =	swait.ge [sflag:s18], $0x4000  }
0x6d: {  	[sflag:s18] =	ssyncset.done $0x0  }
0x6e: {  	s0 =	rddreg [dreg:$0x4];
	[sflag:s18] =	ssyncadd.s32 $0xFFFFC000  }
0x6f: {  	[tilespmem:s4], [sflag:$0x1] =	stream.linear.gather [hbm4b:s0+s3], $0x400, $0x38;
	[tilespmem:$0x18800] =	vst v63  }
0x70: {  	s22 =	rddreg [dreg:$0x5]  }
0x71: {  	[tilespmem:s3], [sflag:$0xE] =	stream.linear.gather [hbm4b:s22+s3], $0x400, $0x38;
	[tilespmem:$0x18800] =	vst v63  }
0x72: {  	_ =	swait.ge [sflag:s5], $0x400  }
0x73: {  	[sflag:s5] =	ssyncset.done $0x0  }
0x74: {  	[sflag:s5] =	ssyncadd.s32 $0xFFFFFC00  }
0x75: {  	v0 =	vld @!p0 [tilespmem:$0x3F0]  }
0x76: {  	v1 =	vld @!p0 [tilespmem:$0x370]  }
0x77: {  	v2 =	vld @!p0 [tilespmem:$0x2F0]  }
0x78: {  	v3 =	vld @!p0 [tilespmem:$0x270]  }
0x79: {  	v4 =	vld @!p0 [tilespmem:$0x1F0]  }
0x7a: {  	v5 =	vld @!p0 [tilespmem:$0x170];
	v0 =	vsel @!p0 vm0, $0x0, v0  }
0x7b: {  	v6 =	vld @!p0 [tilespmem:$0xF0];
	v1 =	vsel @!p0 vm0, $0x0, v1;
	[tilespmem:$0x3F0] =	vst @!p0 v0  }
0x7c: {  	v2 =	vsel @!p0 vm0, $0x0, v2;
	v0 =	vld @!p0 [tilespmem:$0x70];
	[tilespmem:$0x370] =	vst @!p0 v1  }
0x7d: {  	v1 =	vsel @!p0 vm0, $0x0, v3;
	[tilespmem:$0x2F0] =	vst @!p0 v2  }
0x7e: {  	v2 =	vsel @!p0 vm0, $0x0, v4;
	[tilespmem:$0x270] =	vst @!p0 v1  }
0x7f: {  	v1 =	vsel @!p0 vm0, $0x0, v5;
	[tilespmem:$0x1F0] =	vst @!p0 v2  }
0x80: {  	v2 =	vsel @!p0 vm0, $0x0, v6;
	[tilespmem:$0x170] =	vst @!p0 v1  }
0x81: {  	[tilespmem:$0xF0] =	vst @!p0 v2;
	v0 =	vsel @!p0 vm0, $0x0, v0  }
0x82: {  	[tilespmem:$0x70] =	vst @!p0 v0  }
0x83: {  	_ =	swait.ge [sflag:s6], $0x400  }
0x84: {  	[sflag:s6] =	ssyncset.done $0x0  }
0x85: {  	[sflag:s6] =	ssyncadd.s32 $0xFFFFFC00  }
0x86: {  	[tilespmem:s8], [sflag:$0x2] =	stream.indirect.gather [hbm4b:s2+s7], $0x80, s3, s7, $0xb8;
	[tilespmem:$0x18800] =	vst v63  }
0x87: {  	_ = 	snop  }
0x88: {  	[tilespmem:s9], [sflag:$0x3] =	stream.indirect.gather [hbm4b:s2+s7], $0x80, s7, s7, $0xb8;
	[tilespmem:$0x18800] =	vst v63  }
0x89: {  	s0 =	rddreg [dreg:$0x6]  }
0x8a: {  	[tilespmem:s10], [sflag:$0x4] =	stream.indirect.gather [hbm4b:s2+s7], $0x80, s0, s7, $0xb8;
	[tilespmem:$0x18800] =	vst v63  }
0x8b: {  	s22 =	rddreg [dreg:$0x7]  }
0x8c: {  	[tilespmem:s11], [sflag:$0x5] =	stream.indirect.gather [hbm4b:s2+s7], $0x80, s22, s7, $0xb8;
	[tilespmem:$0x18800] =	vst v63  }
0x8d: {  	s0 =	rddreg [dreg:$0x8]  }
0x8e: {  	[tilespmem:s12], [sflag:$0x6] =	stream.indirect.gather [hbm4b:s2+s7], $0x80, s0, s7, $0xb8;
	[tilespmem:$0x18800] =	vst v63  }
0x8f: {  	_ =	swait.ge [sflag:s13], $0x4000  }
0x90: {  	[sflag:s13] =	ssyncset.done $0x0  }
0x91: {  	[sflag:s13] =	ssyncadd.s32 $0xFFFFC000  }
0x92: {  	[hbm4b:s14+s7] =	stream.indirect.scatter [tilespmem:s8], [sflag:$0x8], $0x80, s4, s7, $0xb8;
	[tilespmem:$0x18800] =	vst v63  }
0x93: {  	s22 =	rddreg [dreg:$0x9]  }
0x94: {  	[tilespmem:s15], [sflag:$0x7] =	stream.indirect.gather [hbm4b:s2+s7], $0x80, s22, s7, $0xb8;
	[tilespmem:$0x18800] =	vst v63  }
0x95: {  	_ =	swait.ge [sflag:s17], $0x4000  }
0x96: {  	[sflag:s17] =	ssyncset.done $0x0  }
0x97: {  	s22 =	rddreg [dreg:$0xa];
	[sflag:s17] =	ssyncadd.s32 $0xFFFFC000  }
0x98: {  	[hbm4b:s14+s7] =	stream.indirect.scatter [tilespmem:s9], [sflag:$0x9], $0x80, s22, s7, $0xb8;
	[tilespmem:$0x18800] =	vst v63  }
0x99: {  	_ =	swait.ge [sflag:s16], $0x4000  }
0x9a: {  	[sflag:s16] =	ssyncset.done $0x0  }
0x9b: {  	s22 =	rddreg [dreg:$0xb];
	[sflag:s16] =	ssyncadd.s32 $0xFFFFC000  }
0x9c: {  	[tilespmem:s8], [sflag:$0x2] =	stream.indirect.gather [hbm4b:s2+s7], $0x80, s22, s7, $0xb8;
	[tilespmem:$0x18800] =	vst v63  }
0x9d: {  	_ =	swait.ge [sflag:s19], $0x4000  }
0x9e: {  	[sflag:s19] =	ssyncset.done $0x0  }
0x9f: {  	s22 =	rddreg [dreg:$0xc];
	[sflag:s19] =	ssyncadd.s32 $0xFFFFC000  }
0xa0: {  	[hbm4b:s14+s7] =	stream.indirect.scatter [tilespmem:s10], [sflag:$0xA], $0x80, s22, s7, $0xb8;
	[tilespmem:$0x18800] =	vst v63  }
0xa1: {  	_ =	swait.ge [sflag:s18], $0x4000  }
0xa2: {  	[sflag:s18] =	ssyncset.done $0x0  }
0xa3: {  	s22 =	rddreg [dreg:$0xd];
	[sflag:s18] =	ssyncadd.s32 $0xFFFFC000  }
0xa4: {  	[tilespmem:s9], [sflag:$0x3] =	stream.indirect.gather [hbm4b:s2+s7], $0x80, s22, s7, $0xb8;
	[tilespmem:$0x18800] =	vst v63  }
0xa5: {  	_ =	swait.ge [sflag:s20], $0x4000  }
0xa6: {  	[sflag:s20] =	ssyncset.done $0x0  }
0xa7: {  	s22 =	rddreg [dreg:$0xe];
	[sflag:s20] =	ssyncadd.s32 $0xFFFFC000  }
0xa8: {  	[hbm4b:s14+s7] =	stream.indirect.scatter [tilespmem:s11], [sflag:$0xB], $0x80, s22, s7, $0xb8;
	[tilespmem:$0x18800] =	vst v63  }
0xa9: {  	_ =	swait.ge [sflag:s21], $0x4000  }
0xaa: {  	[sflag:s21] =	ssyncset.done $0x0  }
0xab: {  	s22 =	simm.s32 $0x600;
	[sflag:s21] =	ssyncadd.s32 $0xFFFFC000  }
0xac: {  	[hbm4b:s14+s7] =	stream.indirect.scatter [tilespmem:s12], [sflag:$0xC], $0x80, s22, s7, $0xb8;
	[tilespmem:$0x18800] =	vst v63  }
0xad: {  	_ =	swait.ge [sflag:s23], $0x4000  }
0xae: {  	[sflag:s23] =	ssyncset.done $0x0  }
0xaf: {  	[sflag:s23] =	ssyncadd.s32 $0xFFFFC000  }
0xb0: {  	[hbm4b:s14+s7] =	stream.indirect.scatter [tilespmem:s15], [sflag:$0xD], $0x80, s24, s7, $0xb8;
	[tilespmem:$0x18800] =	vst v63  }
0xb1: {  	_ =	swait.ge [sflag:s13], $0x4000  }
0xb2: {  	[sflag:s13] =	ssyncset.done $0x0  }
0xb3: {  	[sflag:s13] =	ssyncadd.s32 $0xFFFFC000  }
0xb4: {  	[hbm4b:s14+s7] =	stream.indirect.scatter [tilespmem:s8], [sflag:$0x8], $0x80, s25, s7, $0xb8;
	[tilespmem:$0x18800] =	vst v63  }
0xb5: {  	_ =	swait.ge [sflag:s17], $0x4000  }
0xb6: {  	[sflag:s17] =	ssyncset.done $0x0  }
0xb7: {  	[sflag:s17] =	ssyncadd.s32 $0xFFFFC000  }
0xb8: {  	[hbm4b:s14+s7] =	stream.indirect.scatter [tilespmem:s9], [sflag:$0x9], $0x80, s26, s7, $0xb8;
	[tilespmem:$0x18800] =	vst v63  }
0xb9: {  	_ =	swait.ge [sflag:s28], $0x4000  }
0xba: {  	[sflag:s28] =	ssyncset.done $0x0  }
0xbb: {  	[sflag:s28] =	ssyncadd.s32 $0xFFFFC000  }
0xbc: {  	s31 =	sadd.s32 $0xFFFFFFFF, s31;
	_ =	swait.ge [sflag:s29], $0x4000  }
0xbd: {  	p1 =	sne.s32 s31, $0x0;
	[sflag:s29] =	ssyncset.done $0x0  }
.Ltmp1:
0xbe: {  	[sflag:s29] =	ssyncadd.s32 $0xFFFFC000;
	(pc) =	sbr.rel @p1 .LBB2_1-.Ltmp1, $4  }
0xbf: {  	_ =	swait.ge [sflag:s30], $0x4000  }
0xc0: {  	[sflag:s30] =	ssyncset.done $0x0  }
0xc1: {  	[sflag:s30] =	ssyncadd.s32 $0xFFFFC000  }
0xc2: {  	_ =	swait.ge [sflag:s1], $0x4000  }
.LBB2_2:
0xc3: {  	[sflag:s1] =	ssyncset.done $0x0  }
0xc4: {  	[sflag:s1] =	ssyncadd.s32 $0xFFFFC000  }
0xc5: {  	_ =	swait.ge [sflag:s16], $0x4000  }
0xc6: {  	[sflag:s16] =	ssyncset.done $0x0  }
0xc7: {  	[sflag:s16] =	ssyncadd.s32 $0xFFFFC000  }
0xc8: {  	_ =	swait.ge [sflag:s18], $0x4000  }
0xc9: {  	[sflag:s18] =	ssyncset.done $0x0  }
0xca: {  	[sflag:s18] =	ssyncadd.s32 $0xFFFFC000  }
0xcb: {  	_ =	sfence.sel $0x180000  }
0xcc: {  	[bflag:$0x0] =	sbarrier.arrive $0xFFFF  }
0xcd: {  	_ =	strace $0x90000047  }
0xce: {  	s0 =	stileid.u32;
	[bflag:$0x2] =	sbarrier.arrive $0xFFFF  }
0xcf: {  	p0 =	sne.s32 s0, $0x0;
	s0 =	rddreg [dreg:$0x3]  }
0xd0: {  	s0 =	sadd.s32 @!p0 $0x100000, s0  }
0xd1: {  	[sflag:s0] =	ssyncadd.tile.s32 @!p0 $0x1;
	_ =	shalt  }
.Lfunc_end2:
_tile_overlayer_lowered:
.L_overlay_start_2:
0xd2: {  	(tag) =	ssettag $0x2  }
0xd3: {  	s0 =	rddreg [dreg:$0x0];
	s2 =	stileid.u32  }
0xd4: {  	s1 =	rddreg [dreg:$0x1];
	p0 =	sne.s32 s2, $0x0  }
0xd5: {  	s3 =	rddreg [dreg:$0x2];
	[bflag:$0x3] =	sbarrier.arrive $0xFFFF;
	s2 =	simm.s32 @!p0 $0x1C0E  }
0xd6: {  	[timem:s3], [sflag:s2] =	dma.local @!p0 [hbm:s0], s1  }
0xd7: {  	s0 =	simm.s32 @!p0 $0xE  }
0xd8: {  	_ =	swait.ge @!p0 [sflag:s0], s1  }
0xd9: {  	s1 =	ssub.s32 @!p0 $0x0, s1;
	[sflag:s0] =	ssyncset.done @!p0 $0x0  }
0xda: {  	[sflag:s0] =	ssyncadd.s32 @!p0 s1  }
0xdb: {  	[bflag:$0x3] =	sbarrier.arrive $0xFFFF  }
0xdc: {  	_ =	shalt  }

</sc_bundles>
